<compile_context>
chip_gen: v7x
topology: tpu7x:2x2x1
jax: 0.10.2.dev20260603
libtpu: 0.0.44.dev20260713+nightly
codegen_flags: <defaults>
</compile_context>

<pallas_src>
import functools

import jax
import jax.numpy as jnp
from jax import lax
from jax.experimental import pallas as pl
from jax.experimental.pallas import tpu as pltpu
from jax.experimental.pallas import tpu_sc as plsc

KNN = 3
NQ = 8192
NC = 2048
DC = 256
DS = 128
DH = 256

TQ = 512
TM = 512



def _knn_half(ps, bs, pt, bt, h):
    d2 = jnp.zeros((h, NC), jnp.float32)
    for c in range(3):
        diff = ps[:, c:c + 1] - pt[c:c + 1, :]
        d2 = d2 + diff * diff
    d2 = jnp.where(bs != bt, jnp.float32(1e30), d2)
    cols = lax.broadcasted_iota(jnp.int32, (h, NC), 1)
    vals, idxs = [], []
    for k in range(KNN):
        v = jnp.min(d2, axis=1, keepdims=True)
        i = jnp.min(jnp.where(d2 == v, cols, NC), axis=1, keepdims=True)
        vals.append(v)
        idxs.append(i)
        if k + 1 < KNN:
            d2 = jnp.where(cols == i, jnp.float32(1e38), d2)
    w = [1.0 / jnp.maximum(v, jnp.float32(1e-16)) for v in vals]
    den = w[0] + w[1] + w[2]
    wn = [wi / den for wi in w]
    return (jnp.concatenate(idxs, axis=1),
            jnp.concatenate(wn + [jnp.zeros((h, 8 - KNN), jnp.float32)],
                            axis=1))


def _knn_body(ps_ref, bs_ref, pt_ref, bt_ref, idx_ref, wn_ref):
    h = TQ // 2
    pt = pt_ref[...]
    bt = bt_ref[...]
    ia, wa = _knn_half(ps_ref[:h, :], bs_ref[:h, :], pt, bt, h)
    ib, wb = _knn_half(ps_ref[h:, :], bs_ref[h:, :], pt, bt, h)
    idx_ref[...] = jnp.concatenate([ia, ib], axis=0)
    wn_ref[...] = jnp.concatenate([wa, wb], axis=0)


def _knn_call(pos_skip, bs_col, pos_t, batch_row):
    return pl.pallas_call(
        _knn_body,
        grid=(NQ // TQ,),
        in_specs=[
            pl.BlockSpec((TQ, 3), lambda i: (i, 0)),
            pl.BlockSpec((TQ, 1), lambda i: (i, 0)),
            pl.BlockSpec((3, NC), lambda i: (0, 0)),
            pl.BlockSpec((1, NC), lambda i: (0, 0)),
        ],
        out_specs=[
            pl.BlockSpec((TQ, KNN), lambda i: (i, 0)),
            pl.BlockSpec((TQ, 8), lambda i: (i, 0)),
        ],
        out_shape=[
            jax.ShapeDtypeStruct((NQ, KNN), jnp.int32),
            jax.ShapeDtypeStruct((NQ, 8), jnp.float32),
        ],
    )(pos_skip, bs_col, pos_t, batch_row)



def _skipmm_body(xs_ref, w1b_ref, b1_ref, hp_ref):
    hp_ref[...] = (jnp.dot(xs_ref[...], w1b_ref[...],
                           preferred_element_type=jnp.float32) + b1_ref[...])


def _skipmm_call(x_skip, W1b, b1r):
    return pl.pallas_call(
        _skipmm_body,
        grid=(NQ // TM,),
        in_specs=[
            pl.BlockSpec((TM, DS), lambda i: (i, 0)),
            pl.BlockSpec((DS, DH), lambda i: (0, 0)),
            pl.BlockSpec((1, DH), lambda i: (0, 0)),
        ],
        out_specs=pl.BlockSpec((TM, DH), lambda i: (i, 0)),
        out_shape=jax.ShapeDtypeStruct((NQ, DH), jnp.float32),
    )(x_skip, W1b, b1r)



NROWS = KNN * NQ
NW = 32
RPW = NROWS // NW
CH = 128
NCHUNK = RPW // CH


def _gather_body(nrows, x_hbm, idx_hbm, out_hbm, idx0, idx1, rows0, rows1,
                 sem0, sem1):
    nchunk = nrows // NW // CH
    wid = lax.axis_index("s") * 2 + lax.axis_index("c")
    base = pl.multiple_of(wid * (nrows // NW), CH)
    idx_v = (idx0, idx1)
    rows_v = (rows0, rows1)
    sems = (sem0, sem1)
    handles = [None, None]
    pltpu.sync_copy(idx_hbm.at[pl.ds(base, CH)], idx0)
    handles[0] = pltpu.async_copy(x_hbm.at[idx0], rows0, sem0)
    for c in range(nchunk):
        cur = c % 2
        nxt = (c + 1) % 2
        if c + 1 < nchunk:
            off_n = pl.multiple_of(base + (c + 1) * CH, CH)
            pltpu.sync_copy(idx_hbm.at[pl.ds(off_n, CH)], idx_v[nxt])
            handles[nxt] = pltpu.async_copy(x_hbm.at[idx_v[nxt]],
                                            rows_v[nxt], sems[nxt])
        off = pl.multiple_of(base + c * CH, CH)
        handles[cur].wait()
        pltpu.sync_copy(rows_v[cur], out_hbm.at[pl.ds(off, CH)])


def _gather_call(x, idx_flat, nrows):
    mesh = plsc.VectorSubcoreMesh(core_axis_name="c", subcore_axis_name="s")
    fn = functools.partial(
        pl.kernel,
        mesh=mesh,
        out_type=jax.ShapeDtypeStruct((nrows, DC), jnp.float32),
        scratch_types=[
            pltpu.VMEM((CH,), jnp.int32),
            pltpu.VMEM((CH,), jnp.int32),
            pltpu.VMEM((CH, DC), jnp.float32),
            pltpu.VMEM((CH, DC), jnp.float32),
            pltpu.SemaphoreType.DMA,
            pltpu.SemaphoreType.DMA,
        ],
    )(functools.partial(_gather_body, nrows))
    return fn(x, idx_flat)



def _mlp_body(f_ref, wn_ref, hp_ref, w1a_ref, w2_ref, b2_ref, out_ref):
    f = f_ref[...]
    y = (wn_ref[:, 0:1] * f[:, 0 * DC:1 * DC]
         + wn_ref[:, 1:2] * f[:, 1 * DC:2 * DC]
         + wn_ref[:, 2:3] * f[:, 2 * DC:3 * DC])
    h = jnp.maximum(
        jnp.dot(y, w1a_ref[...], preferred_element_type=jnp.float32)
        + hp_ref[...], 0.0)
    out_ref[...] = (jnp.dot(h, w2_ref[...], preferred_element_type=jnp.float32)
                    + b2_ref[...])


def _mlp_call(feats2, wn8, h_part, W1a, W2, b2r):
    nq = feats2.shape[0]
    return pl.pallas_call(
        _mlp_body,
        grid=(nq // TM,),
        in_specs=[
            pl.BlockSpec((TM, KNN * DC), lambda i: (i, 0)),
            pl.BlockSpec((TM, 8), lambda i: (i, 0)),
            pl.BlockSpec((TM, DH), lambda i: (i, 0)),
            pl.BlockSpec((DC, DH), lambda i: (0, 0)),
            pl.BlockSpec((DH, DH), lambda i: (0, 0)),
            pl.BlockSpec((1, DH), lambda i: (0, 0)),
        ],
        out_specs=pl.BlockSpec((TM, DH), lambda i: (i, 0)),
        out_shape=jax.ShapeDtypeStruct((nq, DH), jnp.float32),
    )(feats2, wn8, h_part, W1a, W2, b2r)


def kernel(x, pos, batch, x_skip, pos_skip, batch_skip, W1, b1, W2, b2):
    pos_t = pos.T
    batch_row = batch.reshape(1, NC)
    bs_col = batch_skip.reshape(NQ, 1)
    b1r = b1.reshape(1, DH)
    idx3, wn8 = _knn_call(pos_skip, bs_col, pos_t, batch_row)
    idx_flat = idx3.reshape(-1)
    feats = _gather_call(x, idx_flat, NROWS)
    h_part = _skipmm_call(x_skip, W1[DC:], b1r)
    feats2 = feats.reshape(NQ, KNN * DC)
    out = _mlp_call(feats2, wn8, h_part, W1[:DC], W2, b2.reshape(1, DH))
    return (out, pos_skip, batch_skip)

# --- scband reference (transcript-rebuilt; emitter-appended) ---
"""Pipeline reference for scband-fpmodule-52974126629570 (READ-ONLY COPY).

The authoritative reference and input builder live on the scoring server;
editing this copy changes nothing except your own understanding.
"""

import jax, jax.numpy as jnp
import numpy as np

K = 3
D_COARSE = 256
D_SKIP = 128
D_HID = 256
N_COARSE = 2048
N_SKIP = 8192
N_BATCH = 16


def setup_inputs(seed: int = 0) -> dict:
    key = jax.random.key(seed)
    ks = jax.random.split(key, 10)
    x = jax.random.normal(ks[0], (N_COARSE, D_COARSE), dtype=jnp.float32)
    pos = jax.random.uniform(ks[1], (N_COARSE, 3), dtype=jnp.float32)
    batch = jnp.sort(jax.random.randint(ks[2], (N_COARSE,), 0, N_BATCH, dtype=jnp.int32))
    x_skip = jax.random.normal(ks[3], (N_SKIP, D_SKIP), dtype=jnp.float32)
    pos_skip = jax.random.uniform(ks[4], (N_SKIP, 3), dtype=jnp.float32)
    batch_skip = jnp.sort(jax.random.randint(ks[5], (N_SKIP,), 0, N_BATCH, dtype=jnp.int32))
    d_in = D_COARSE + D_SKIP
    W1 = jax.random.normal(ks[6], (d_in, D_HID), dtype=jnp.float32) * (1.0 / np.sqrt(d_in))
    b1 = jnp.zeros((D_HID,), dtype=jnp.float32)
    W2 = jax.random.normal(ks[7], (D_HID, D_HID), dtype=jnp.float32) * (1.0 / np.sqrt(D_HID))
    b2 = jnp.zeros((D_HID,), dtype=jnp.float32)
    return {"x": x, "pos": pos, "batch": batch, "x_skip": x_skip, "pos_skip": pos_skip, "batch_skip": batch_skip, "W1": W1, "b1": b1, "W2": W2, "b2": b2}


def knn_interpolate(x, pos, pos_skip, batch, batch_skip, k):
    # pairwise squared distances between skip (query) points and coarse (key) points
    d2 = jnp.sum((pos_skip[:, None, :] - pos[None, :, :]) ** 2, axis=-1)  # [M, N]
    mask = batch_skip[:, None] != batch[None, :]
    d2m = jnp.where(mask, 1e30, d2)
    neg_d, idx = jax.lax.top_k(-d2m, k)  # k nearest per query
    d2k = -neg_d
    w = 1.0 / jnp.clip(d2k, 1e-16)  # inverse squared-distance weights [M, k]
    feats = jnp.take(x, idx, axis=0)  # [M, k, d]
    num = jnp.sum(feats * w[..., None], axis=1)
    den = jnp.sum(w, axis=1, keepdims=True)
    return num / den


def reference(x, pos, batch, x_skip, pos_skip, batch_skip, W1, b1, W2, b2):
    y = knn_interpolate(x, pos, pos_skip, batch, batch_skip, K)
    h = jnp.concatenate([y, x_skip], axis=1)
    h = jnp.maximum(h @ W1 + b1, 0.0)
    out = h @ W2 + b2
    return (out, pos_skip, batch_skip)

if __name__ == "__main__":
    import jax
    _d = setup_inputs()
    print(jax.jit(kernel)(*tuple(_d.values())))

</pallas_src>

<mosaic_0001>
#map = affine_map<(d0, d1) -> (0, 0)>
#map1 = affine_map<(d0, d1) -> (0)>
module attributes {stable_mosaic.version = 14 : i64} {
  func.func @_gather_body(%arg0: i32, %arg1: i32, %arg2: memref<2048x256xf32, #tpu.memory_space<hbm>>, %arg3: memref<24576xi32, #tpu.memory_space<hbm>>, %arg4: memref<24576x256xf32, #tpu.memory_space<hbm>>, %arg5: memref<128xi32, #tpu.memory_space<vmem>>, %arg6: memref<128xi32, #tpu.memory_space<vmem>>, %arg7: memref<128x256xf32, #tpu.memory_space<vmem>>, %arg8: memref<128x256xf32, #tpu.memory_space<vmem>>, %arg9: memref<!tpu.dma_semaphore, #tpu.memory_space<semaphore_mem>>, %arg10: memref<!tpu.dma_semaphore, #tpu.memory_space<semaphore_mem>>) attributes {dimension_semantics = [#tpu.dimension_semantics<core_parallel>, #tpu.dimension_semantics<subcore_parallel>], iteration_bounds = array<i64: 2, 16>, scalar_prefetch = 0 : i64, scratch_operands = 6 : i64, tpu.core_type = #tpu.core_type<sc_vector_subcore>, window_params = [{transform_indices = #map}, {transform_indices = #map1}, {transform_indices = #map}]} {
    %mul3A = arith.constant 2 : i32
    %mul3A_0 = arith.muli %arg1, %mul3A : i32
    %add3A = arith.addi %mul3A_0, %arg0 : i32
    %mul3A_1 = arith.constant 768 : i32
    %mul3A_2 = arith.muli %add3A, %mul3A_1 : i32
    %multiple_of3A = tpu.assume_multiple %mul3A_2, 128 : i32
    "tpu.region"() ({
      %run_scoped3A = tpu.sem_alloc : memref<!tpu.dma_semaphore, #tpu.memory_space<semaphore_mem>>
      %dma_start3A_70 = tpu.memref_slice %arg3[%multiple_of3A] : memref<24576xi32, #tpu.memory_space<hbm>> -> memref<128xi32, #tpu.memory_space<hbm>>
      %dma_start3A_71 = tpu.memref_slice %arg3[%multiple_of3A] : memref<24576xi32, #tpu.memory_space<hbm>> -> memref<128xi32, #tpu.memory_space<hbm>>
      tpu.enqueue_dma source(%dma_start3A_71 : memref<128xi32, #tpu.memory_space<hbm>>) target(%arg5 : memref<128xi32, #tpu.memory_space<vmem>>) target_semaphore(%run_scoped3A : memref<!tpu.dma_semaphore, #tpu.memory_space<semaphore_mem>>)
      %dma_wait3A_72 = tpu.memref_slice %arg3[%multiple_of3A] : memref<24576xi32, #tpu.memory_space<hbm>> -> memref<128xi32, #tpu.memory_space<hbm>>
      %dma_wait3A_73 = tpu.memref_slice %arg3[%multiple_of3A] : memref<24576xi32, #tpu.memory_space<hbm>> -> memref<128xi32, #tpu.memory_space<hbm>>
      tpu.wait_dma2 semaphore(%run_scoped3A : memref<!tpu.dma_semaphore, #tpu.memory_space<semaphore_mem>>) src(%dma_wait3A_73 : memref<128xi32, #tpu.memory_space<hbm>>) dst(%arg5 : memref<128xi32, #tpu.memory_space<vmem>>)
      tpu.yield
    }) : () -> ()
    %dma_start3A = arith.constant 0 : i32
    %dma_start3A_3 = arith.constant 0 : i32
    %dma_start3A_4 = tpu.memref_slice %arg2[%dma_start3A, %dma_start3A_3] : memref<2048x256xf32, #tpu.memory_space<hbm>> -> memref<2048x256xf32, #tpu.memory_space<hbm>>
    tpu.enqueue_indirect_dma source(%dma_start3A_4 : memref<2048x256xf32, #tpu.memory_space<hbm>>) target(%arg7 : memref<128x256xf32, #tpu.memory_space<vmem>>) offsets(%arg5 : memref<128xi32, #tpu.memory_space<vmem>>) semaphore(%arg9 : memref<!tpu.dma_semaphore, #tpu.memory_space<semaphore_mem>>)
    %add3A_5 = arith.constant 128 : i32
    %add3A_6 = arith.addi %multiple_of3A, %add3A_5 : i32
    %multiple_of3A_7 = tpu.assume_multiple %add3A_6, 128 : i32
    "tpu.region"() ({
      %run_scoped3A = tpu.sem_alloc : memref<!tpu.dma_semaphore, #tpu.memory_space<semaphore_mem>>
      %dma_start3A_70 = tpu.memref_slice %arg3[%multiple_of3A_7] : memref<24576xi32, #tpu.memory_space<hbm>> -> memref<128xi32, #tpu.memory_space<hbm>>
      %dma_start3A_71 = tpu.memref_slice %arg3[%multiple_of3A_7] : memref<24576xi32, #tpu.memory_space<hbm>> -> memref<128xi32, #tpu.memory_space<hbm>>
      tpu.enqueue_dma source(%dma_start3A_71 : memref<128xi32, #tpu.memory_space<hbm>>) target(%arg6 : memref<128xi32, #tpu.memory_space<vmem>>) target_semaphore(%run_scoped3A : memref<!tpu.dma_semaphore, #tpu.memory_space<semaphore_mem>>)
      %dma_wait3A_72 = tpu.memref_slice %arg3[%multiple_of3A_7] : memref<24576xi32, #tpu.memory_space<hbm>> -> memref<128xi32, #tpu.memory_space<hbm>>
      %dma_wait3A_73 = tpu.memref_slice %arg3[%multiple_of3A_7] : memref<24576xi32, #tpu.memory_space<hbm>> -> memref<128xi32, #tpu.memory_space<hbm>>
      tpu.wait_dma2 semaphore(%run_scoped3A : memref<!tpu.dma_semaphore, #tpu.memory_space<semaphore_mem>>) src(%dma_wait3A_73 : memref<128xi32, #tpu.memory_space<hbm>>) dst(%arg6 : memref<128xi32, #tpu.memory_space<vmem>>)
      tpu.yield
    }) : () -> ()
    %dma_start3A_8 = arith.constant 0 : i32
    %dma_start3A_9 = arith.constant 0 : i32
    %dma_start3A_10 = tpu.memref_slice %arg2[%dma_start3A_8, %dma_start3A_9] : memref<2048x256xf32, #tpu.memory_space<hbm>> -> memref<2048x256xf32, #tpu.memory_space<hbm>>
    tpu.enqueue_indirect_dma source(%dma_start3A_10 : memref<2048x256xf32, #tpu.memory_space<hbm>>) target(%arg8 : memref<128x256xf32, #tpu.memory_space<vmem>>) offsets(%arg6 : memref<128xi32, #tpu.memory_space<vmem>>) semaphore(%arg10 : memref<!tpu.dma_semaphore, #tpu.memory_space<semaphore_mem>>)
    %add3A_11 = arith.constant 0 : i32
    %add3A_12 = arith.addi %multiple_of3A, %add3A_11 : i32
    %multiple_of3A_13 = tpu.assume_multiple %add3A_12, 128 : i32
    %dma_wait3A = arith.constant 0 : i32
    %dma_wait3A_14 = arith.constant 0 : i32
    %dma_wait3A_15 = tpu.memref_slice %arg2[%dma_wait3A, %dma_wait3A_14] : memref<2048x256xf32, #tpu.memory_space<hbm>> -> memref<2048x256xf32, #tpu.memory_space<hbm>>
    tpu.wait_indirect_dma semaphore(%arg9 : memref<!tpu.dma_semaphore, #tpu.memory_space<semaphore_mem>>) src(%dma_wait3A_15 : memref<2048x256xf32, #tpu.memory_space<hbm>>) dst(%arg7 : memref<128x256xf32, #tpu.memory_space<vmem>>)
    "tpu.region"() ({
      %run_scoped3A = tpu.sem_alloc : memref<!tpu.dma_semaphore, #tpu.memory_space<semaphore_mem>>
      %dma_start3A_70 = arith.constant 0 : i32
      %dma_start3A_71 = tpu.memref_slice %arg4[%multiple_of3A_13, %dma_start3A_70] : memref<24576x256xf32, #tpu.memory_space<hbm>> -> memref<128x256xf32, #tpu.memory_space<hbm>>
      %dma_start3A_72 = arith.constant 0 : i32
      %dma_start3A_73 = tpu.memref_slice %arg4[%multiple_of3A_13, %dma_start3A_72] : memref<24576x256xf32, #tpu.memory_space<hbm>> -> memref<128x256xf32, #tpu.memory_space<hbm>>
      tpu.enqueue_dma source(%arg7 : memref<128x256xf32, #tpu.memory_space<vmem>>) target(%dma_start3A_73 : memref<128x256xf32, #tpu.memory_space<hbm>>) target_semaphore(%run_scoped3A : memref<!tpu.dma_semaphore, #tpu.memory_space<semaphore_mem>>)
      %dma_wait3A_74 = arith.constant 0 : i32
      %dma_wait3A_75 = tpu.memref_slice %arg4[%multiple_of3A_13, %dma_wait3A_74] : memref<24576x256xf32, #tpu.memory_space<hbm>> -> memref<128x256xf32, #tpu.memory_space<hbm>>
      %dma_wait3A_76 = arith.constant 0 : i32
      %dma_wait3A_77 = tpu.memref_slice %arg4[%multiple_of3A_13, %dma_wait3A_76] : memref<24576x256xf32, #tpu.memory_space<hbm>> -> memref<128x256xf32, #tpu.memory_space<hbm>>
      tpu.wait_dma2 semaphore(%run_scoped3A : memref<!tpu.dma_semaphore, #tpu.memory_space<semaphore_mem>>) src(%arg7 : memref<128x256xf32, #tpu.memory_space<vmem>>) dst(%dma_wait3A_77 : memref<128x256xf32, #tpu.memory_space<hbm>>)
      tpu.yield
    }) : () -> ()
    %add3A_16 = arith.constant 256 : i32
    %add3A_17 = arith.addi %multiple_of3A, %add3A_16 : i32
    %multiple_of3A_18 = tpu.assume_multiple %add3A_17, 128 : i32
    "tpu.region"() ({
      %run_scoped3A = tpu.sem_alloc : memref<!tpu.dma_semaphore, #tpu.memory_space<semaphore_mem>>
      %dma_start3A_70 = tpu.memref_slice %arg3[%multiple_of3A_18] : memref<24576xi32, #tpu.memory_space<hbm>> -> memref<128xi32, #tpu.memory_space<hbm>>
      %dma_start3A_71 = tpu.memref_slice %arg3[%multiple_of3A_18] : memref<24576xi32, #tpu.memory_space<hbm>> -> memref<128xi32, #tpu.memory_space<hbm>>
      tpu.enqueue_dma source(%dma_start3A_71 : memref<128xi32, #tpu.memory_space<hbm>>) target(%arg5 : memref<128xi32, #tpu.memory_space<vmem>>) target_semaphore(%run_scoped3A : memref<!tpu.dma_semaphore, #tpu.memory_space<semaphore_mem>>)
      %dma_wait3A_72 = tpu.memref_slice %arg3[%multiple_of3A_18] : memref<24576xi32, #tpu.memory_space<hbm>> -> memref<128xi32, #tpu.memory_space<hbm>>
      %dma_wait3A_73 = tpu.memref_slice %arg3[%multiple_of3A_18] : memref<24576xi32, #tpu.memory_space<hbm>> -> memref<128xi32, #tpu.memory_space<hbm>>
      tpu.wait_dma2 semaphore(%run_scoped3A : memref<!tpu.dma_semaphore, #tpu.memory_space<semaphore_mem>>) src(%dma_wait3A_73 : memref<128xi32, #tpu.memory_space<hbm>>) dst(%arg5 : memref<128xi32, #tpu.memory_space<vmem>>)
      tpu.yield
    }) : () -> ()
    %dma_start3A_19 = arith.constant 0 : i32
    %dma_start3A_20 = arith.constant 0 : i32
    %dma_start3A_21 = tpu.memref_slice %arg2[%dma_start3A_19, %dma_start3A_20] : memref<2048x256xf32, #tpu.memory_space<hbm>> -> memref<2048x256xf32, #tpu.memory_space<hbm>>
    tpu.enqueue_indirect_dma source(%dma_start3A_21 : memref<2048x256xf32, #tpu.memory_space<hbm>>) target(%arg7 : memref<128x256xf32, #tpu.memory_space<vmem>>) offsets(%arg5 : memref<128xi32, #tpu.memory_space<vmem>>) semaphore(%arg9 : memref<!tpu.dma_semaphore, #tpu.memory_space<semaphore_mem>>)
    %add3A_22 = arith.constant 128 : i32
    %add3A_23 = arith.addi %multiple_of3A, %add3A_22 : i32
    %multiple_of3A_24 = tpu.assume_multiple %add3A_23, 128 : i32
    %dma_wait3A_25 = arith.constant 0 : i32
    %dma_wait3A_26 = arith.constant 0 : i32
    %dma_wait3A_27 = tpu.memref_slice %arg2[%dma_wait3A_25, %dma_wait3A_26] : memref<2048x256xf32, #tpu.memory_space<hbm>> -> memref<2048x256xf32, #tpu.memory_space<hbm>>
    tpu.wait_indirect_dma semaphore(%arg10 : memref<!tpu.dma_semaphore, #tpu.memory_space<semaphore_mem>>) src(%dma_wait3A_27 : memref<2048x256xf32, #tpu.memory_space<hbm>>) dst(%arg8 : memref<128x256xf32, #tpu.memory_space<vmem>>)
    "tpu.region"() ({
      %run_scoped3A = tpu.sem_alloc : memref<!tpu.dma_semaphore, #tpu.memory_space<semaphore_mem>>
      %dma_start3A_70 = arith.constant 0 : i32
      %dma_start3A_71 = tpu.memref_slice %arg4[%multiple_of3A_24, %dma_start3A_70] : memref<24576x256xf32, #tpu.memory_space<hbm>> -> memref<128x256xf32, #tpu.memory_space<hbm>>
      %dma_start3A_72 = arith.constant 0 : i32
      %dma_start3A_73 = tpu.memref_slice %arg4[%multiple_of3A_24, %dma_start3A_72] : memref<24576x256xf32, #tpu.memory_space<hbm>> -> memref<128x256xf32, #tpu.memory_space<hbm>>
      tpu.enqueue_dma source(%arg8 : memref<128x256xf32, #tpu.memory_space<vmem>>) target(%dma_start3A_73 : memref<128x256xf32, #tpu.memory_space<hbm>>) target_semaphore(%run_scoped3A : memref<!tpu.dma_semaphore, #tpu.memory_space<semaphore_mem>>)
      %dma_wait3A_74 = arith.constant 0 : i32
      %dma_wait3A_75 = tpu.memref_slice %arg4[%multiple_of3A_24, %dma_wait3A_74] : memref<24576x256xf32, #tpu.memory_space<hbm>> -> memref<128x256xf32, #tpu.memory_space<hbm>>
      %dma_wait3A_76 = arith.constant 0 : i32
      %dma_wait3A_77 = tpu.memref_slice %arg4[%multiple_of3A_24, %dma_wait3A_76] : memref<24576x256xf32, #tpu.memory_space<hbm>> -> memref<128x256xf32, #tpu.memory_space<hbm>>
      tpu.wait_dma2 semaphore(%run_scoped3A : memref<!tpu.dma_semaphore, #tpu.memory_space<semaphore_mem>>) src(%arg8 : memref<128x256xf32, #tpu.memory_space<vmem>>) dst(%dma_wait3A_77 : memref<128x256xf32, #tpu.memory_space<hbm>>)
      tpu.yield
    }) : () -> ()
    %add3A_28 = arith.constant 384 : i32
    %add3A_29 = arith.addi %multiple_of3A, %add3A_28 : i32
    %multiple_of3A_30 = tpu.assume_multiple %add3A_29, 128 : i32
    "tpu.region"() ({
      %run_scoped3A = tpu.sem_alloc : memref<!tpu.dma_semaphore, #tpu.memory_space<semaphore_mem>>
      %dma_start3A_70 = tpu.memref_slice %arg3[%multiple_of3A_30] : memref<24576xi32, #tpu.memory_space<hbm>> -> memref<128xi32, #tpu.memory_space<hbm>>
      %dma_start3A_71 = tpu.memref_slice %arg3[%multiple_of3A_30] : memref<24576xi32, #tpu.memory_space<hbm>> -> memref<128xi32, #tpu.memory_space<hbm>>
      tpu.enqueue_dma source(%dma_start3A_71 : memref<128xi32, #tpu.memory_space<hbm>>) target(%arg6 : memref<128xi32, #tpu.memory_space<vmem>>) target_semaphore(%run_scoped3A : memref<!tpu.dma_semaphore, #tpu.memory_space<semaphore_mem>>)
      %dma_wait3A_72 = tpu.memref_slice %arg3[%multiple_of3A_30] : memref<24576xi32, #tpu.memory_space<hbm>> -> memref<128xi32, #tpu.memory_space<hbm>>
      %dma_wait3A_73 = tpu.memref_slice %arg3[%multiple_of3A_30] : memref<24576xi32, #tpu.memory_space<hbm>> -> memref<128xi32, #tpu.memory_space<hbm>>
      tpu.wait_dma2 semaphore(%run_scoped3A : memref<!tpu.dma_semaphore, #tpu.memory_space<semaphore_mem>>) src(%dma_wait3A_73 : memref<128xi32, #tpu.memory_space<hbm>>) dst(%arg6 : memref<128xi32, #tpu.memory_space<vmem>>)
      tpu.yield
    }) : () -> ()
    %dma_start3A_31 = arith.constant 0 : i32
    %dma_start3A_32 = arith.constant 0 : i32
    %dma_start3A_33 = tpu.memref_slice %arg2[%dma_start3A_31, %dma_start3A_32] : memref<2048x256xf32, #tpu.memory_space<hbm>> -> memref<2048x256xf32, #tpu.memory_space<hbm>>
    tpu.enqueue_indirect_dma source(%dma_start3A_33 : memref<2048x256xf32, #tpu.memory_space<hbm>>) target(%arg8 : memref<128x256xf32, #tpu.memory_space<vmem>>) offsets(%arg6 : memref<128xi32, #tpu.memory_space<vmem>>) semaphore(%arg10 : memref<!tpu.dma_semaphore, #tpu.memory_space<semaphore_mem>>)
    %add3A_34 = arith.constant 256 : i32
    %add3A_35 = arith.addi %multiple_of3A, %add3A_34 : i32
    %multiple_of3A_36 = tpu.assume_multiple %add3A_35, 128 : i32
    %dma_wait3A_37 = arith.constant 0 : i32
    %dma_wait3A_38 = arith.constant 0 : i32
    %dma_wait3A_39 = tpu.memref_slice %arg2[%dma_wait3A_37, %dma_wait3A_38] : memref<2048x256xf32, #tpu.memory_space<hbm>> -> memref<2048x256xf32, #tpu.memory_space<hbm>>
    tpu.wait_indirect_dma semaphore(%arg9 : memref<!tpu.dma_semaphore, #tpu.memory_space<semaphore_mem>>) src(%dma_wait3A_39 : memref<2048x256xf32, #tpu.memory_space<hbm>>) dst(%arg7 : memref<128x256xf32, #tpu.memory_space<vmem>>)
    "tpu.region"() ({
      %run_scoped3A = tpu.sem_alloc : memref<!tpu.dma_semaphore, #tpu.memory_space<semaphore_mem>>
      %dma_start3A_70 = arith.constant 0 : i32
      %dma_start3A_71 = tpu.memref_slice %arg4[%multiple_of3A_36, %dma_start3A_70] : memref<24576x256xf32, #tpu.memory_space<hbm>> -> memref<128x256xf32, #tpu.memory_space<hbm>>
      %dma_start3A_72 = arith.constant 0 : i32
      %dma_start3A_73 = tpu.memref_slice %arg4[%multiple_of3A_36, %dma_start3A_72] : memref<24576x256xf32, #tpu.memory_space<hbm>> -> memref<128x256xf32, #tpu.memory_space<hbm>>
      tpu.enqueue_dma source(%arg7 : memref<128x256xf32, #tpu.memory_space<vmem>>) target(%dma_start3A_73 : memref<128x256xf32, #tpu.memory_space<hbm>>) target_semaphore(%run_scoped3A : memref<!tpu.dma_semaphore, #tpu.memory_space<semaphore_mem>>)
      %dma_wait3A_74 = arith.constant 0 : i32
      %dma_wait3A_75 = tpu.memref_slice %arg4[%multiple_of3A_36, %dma_wait3A_74] : memref<24576x256xf32, #tpu.memory_space<hbm>> -> memref<128x256xf32, #tpu.memory_space<hbm>>
      %dma_wait3A_76 = arith.constant 0 : i32
      %dma_wait3A_77 = tpu.memref_slice %arg4[%multiple_of3A_36, %dma_wait3A_76] : memref<24576x256xf32, #tpu.memory_space<hbm>> -> memref<128x256xf32, #tpu.memory_space<hbm>>
      tpu.wait_dma2 semaphore(%run_scoped3A : memref<!tpu.dma_semaphore, #tpu.memory_space<semaphore_mem>>) src(%arg7 : memref<128x256xf32, #tpu.memory_space<vmem>>) dst(%dma_wait3A_77 : memref<128x256xf32, #tpu.memory_space<hbm>>)
      tpu.yield
    }) : () -> ()
    %add3A_40 = arith.constant 512 : i32
    %add3A_41 = arith.addi %multiple_of3A, %add3A_40 : i32
    %multiple_of3A_42 = tpu.assume_multiple %add3A_41, 128 : i32
    "tpu.region"() ({
      %run_scoped3A = tpu.sem_alloc : memref<!tpu.dma_semaphore, #tpu.memory_space<semaphore_mem>>
      %dma_start3A_70 = tpu.memref_slice %arg3[%multiple_of3A_42] : memref<24576xi32, #tpu.memory_space<hbm>> -> memref<128xi32, #tpu.memory_space<hbm>>
      %dma_start3A_71 = tpu.memref_slice %arg3[%multiple_of3A_42] : memref<24576xi32, #tpu.memory_space<hbm>> -> memref<128xi32, #tpu.memory_space<hbm>>
      tpu.enqueue_dma source(%dma_start3A_71 : memref<128xi32, #tpu.memory_space<hbm>>) target(%arg5 : memref<128xi32, #tpu.memory_space<vmem>>) target_semaphore(%run_scoped3A : memref<!tpu.dma_semaphore, #tpu.memory_space<semaphore_mem>>)
      %dma_wait3A_72 = tpu.memref_slice %arg3[%multiple_of3A_42] : memref<24576xi32, #tpu.memory_space<hbm>> -> memref<128xi32, #tpu.memory_space<hbm>>
      %dma_wait3A_73 = tpu.memref_slice %arg3[%multiple_of3A_42] : memref<24576xi32, #tpu.memory_space<hbm>> -> memref<128xi32, #tpu.memory_space<hbm>>
      tpu.wait_dma2 semaphore(%run_scoped3A : memref<!tpu.dma_semaphore, #tpu.memory_space<semaphore_mem>>) src(%dma_wait3A_73 : memref<128xi32, #tpu.memory_space<hbm>>) dst(%arg5 : memref<128xi32, #tpu.memory_space<vmem>>)
      tpu.yield
    }) : () -> ()
    %dma_start3A_43 = arith.constant 0 : i32
    %dma_start3A_44 = arith.constant 0 : i32
    %dma_start3A_45 = tpu.memref_slice %arg2[%dma_start3A_43, %dma_start3A_44] : memref<2048x256xf32, #tpu.memory_space<hbm>> -> memref<2048x256xf32, #tpu.memory_space<hbm>>
    tpu.enqueue_indirect_dma source(%dma_start3A_45 : memref<2048x256xf32, #tpu.memory_space<hbm>>) target(%arg7 : memref<128x256xf32, #tpu.memory_space<vmem>>) offsets(%arg5 : memref<128xi32, #tpu.memory_space<vmem>>) semaphore(%arg9 : memref<!tpu.dma_semaphore, #tpu.memory_space<semaphore_mem>>)
    %add3A_46 = arith.constant 384 : i32
    %add3A_47 = arith.addi %multiple_of3A, %add3A_46 : i32
    %multiple_of3A_48 = tpu.assume_multiple %add3A_47, 128 : i32
    %dma_wait3A_49 = arith.constant 0 : i32
    %dma_wait3A_50 = arith.constant 0 : i32
    %dma_wait3A_51 = tpu.memref_slice %arg2[%dma_wait3A_49, %dma_wait3A_50] : memref<2048x256xf32, #tpu.memory_space<hbm>> -> memref<2048x256xf32, #tpu.memory_space<hbm>>
    tpu.wait_indirect_dma semaphore(%arg10 : memref<!tpu.dma_semaphore, #tpu.memory_space<semaphore_mem>>) src(%dma_wait3A_51 : memref<2048x256xf32, #tpu.memory_space<hbm>>) dst(%arg8 : memref<128x256xf32, #tpu.memory_space<vmem>>)
    "tpu.region"() ({
      %run_scoped3A = tpu.sem_alloc : memref<!tpu.dma_semaphore, #tpu.memory_space<semaphore_mem>>
      %dma_start3A_70 = arith.constant 0 : i32
      %dma_start3A_71 = tpu.memref_slice %arg4[%multiple_of3A_48, %dma_start3A_70] : memref<24576x256xf32, #tpu.memory_space<hbm>> -> memref<128x256xf32, #tpu.memory_space<hbm>>
      %dma_start3A_72 = arith.constant 0 : i32
      %dma_start3A_73 = tpu.memref_slice %arg4[%multiple_of3A_48, %dma_start3A_72] : memref<24576x256xf32, #tpu.memory_space<hbm>> -> memref<128x256xf32, #tpu.memory_space<hbm>>
      tpu.enqueue_dma source(%arg8 : memref<128x256xf32, #tpu.memory_space<vmem>>) target(%dma_start3A_73 : memref<128x256xf32, #tpu.memory_space<hbm>>) target_semaphore(%run_scoped3A : memref<!tpu.dma_semaphore, #tpu.memory_space<semaphore_mem>>)
      %dma_wait3A_74 = arith.constant 0 : i32
      %dma_wait3A_75 = tpu.memref_slice %arg4[%multiple_of3A_48, %dma_wait3A_74] : memref<24576x256xf32, #tpu.memory_space<hbm>> -> memref<128x256xf32, #tpu.memory_space<hbm>>
      %dma_wait3A_76 = arith.constant 0 : i32
      %dma_wait3A_77 = tpu.memref_slice %arg4[%multiple_of3A_48, %dma_wait3A_76] : memref<24576x256xf32, #tpu.memory_space<hbm>> -> memref<128x256xf32, #tpu.memory_space<hbm>>
      tpu.wait_dma2 semaphore(%run_scoped3A : memref<!tpu.dma_semaphore, #tpu.memory_space<semaphore_mem>>) src(%arg8 : memref<128x256xf32, #tpu.memory_space<vmem>>) dst(%dma_wait3A_77 : memref<128x256xf32, #tpu.memory_space<hbm>>)
      tpu.yield
    }) : () -> ()
    %add3A_52 = arith.constant 640 : i32
    %add3A_53 = arith.addi %multiple_of3A, %add3A_52 : i32
    %multiple_of3A_54 = tpu.assume_multiple %add3A_53, 128 : i32
    "tpu.region"() ({
      %run_scoped3A = tpu.sem_alloc : memref<!tpu.dma_semaphore, #tpu.memory_space<semaphore_mem>>
      %dma_start3A_70 = tpu.memref_slice %arg3[%multiple_of3A_54] : memref<24576xi32, #tpu.memory_space<hbm>> -> memref<128xi32, #tpu.memory_space<hbm>>
      %dma_start3A_71 = tpu.memref_slice %arg3[%multiple_of3A_54] : memref<24576xi32, #tpu.memory_space<hbm>> -> memref<128xi32, #tpu.memory_space<hbm>>
      tpu.enqueue_dma source(%dma_start3A_71 : memref<128xi32, #tpu.memory_space<hbm>>) target(%arg6 : memref<128xi32, #tpu.memory_space<vmem>>) target_semaphore(%run_scoped3A : memref<!tpu.dma_semaphore, #tpu.memory_space<semaphore_mem>>)
      %dma_wait3A_72 = tpu.memref_slice %arg3[%multiple_of3A_54] : memref<24576xi32, #tpu.memory_space<hbm>> -> memref<128xi32, #tpu.memory_space<hbm>>
      %dma_wait3A_73 = tpu.memref_slice %arg3[%multiple_of3A_54] : memref<24576xi32, #tpu.memory_space<hbm>> -> memref<128xi32, #tpu.memory_space<hbm>>
      tpu.wait_dma2 semaphore(%run_scoped3A : memref<!tpu.dma_semaphore, #tpu.memory_space<semaphore_mem>>) src(%dma_wait3A_73 : memref<128xi32, #tpu.memory_space<hbm>>) dst(%arg6 : memref<128xi32, #tpu.memory_space<vmem>>)
      tpu.yield
    }) : () -> ()
    %dma_start3A_55 = arith.constant 0 : i32
    %dma_start3A_56 = arith.constant 0 : i32
    %dma_start3A_57 = tpu.memref_slice %arg2[%dma_start3A_55, %dma_start3A_56] : memref<2048x256xf32, #tpu.memory_space<hbm>> -> memref<2048x256xf32, #tpu.memory_space<hbm>>
    tpu.enqueue_indirect_dma source(%dma_start3A_57 : memref<2048x256xf32, #tpu.memory_space<hbm>>) target(%arg8 : memref<128x256xf32, #tpu.memory_space<vmem>>) offsets(%arg6 : memref<128xi32, #tpu.memory_space<vmem>>) semaphore(%arg10 : memref<!tpu.dma_semaphore, #tpu.memory_space<semaphore_mem>>)
    %add3A_58 = arith.constant 512 : i32
    %add3A_59 = arith.addi %multiple_of3A, %add3A_58 : i32
    %multiple_of3A_60 = tpu.assume_multiple %add3A_59, 128 : i32
    %dma_wait3A_61 = arith.constant 0 : i32
    %dma_wait3A_62 = arith.constant 0 : i32
    %dma_wait3A_63 = tpu.memref_slice %arg2[%dma_wait3A_61, %dma_wait3A_62] : memref<2048x256xf32, #tpu.memory_space<hbm>> -> memref<2048x256xf32, #tpu.memory_space<hbm>>
    tpu.wait_indirect_dma semaphore(%arg9 : memref<!tpu.dma_semaphore, #tpu.memory_space<semaphore_mem>>) src(%dma_wait3A_63 : memref<2048x256xf32, #tpu.memory_space<hbm>>) dst(%arg7 : memref<128x256xf32, #tpu.memory_space<vmem>>)
    "tpu.region"() ({
      %run_scoped3A = tpu.sem_alloc : memref<!tpu.dma_semaphore, #tpu.memory_space<semaphore_mem>>
      %dma_start3A_70 = arith.constant 0 : i32
      %dma_start3A_71 = tpu.memref_slice %arg4[%multiple_of3A_60, %dma_start3A_70] : memref<24576x256xf32, #tpu.memory_space<hbm>> -> memref<128x256xf32, #tpu.memory_space<hbm>>
      %dma_start3A_72 = arith.constant 0 : i32
      %dma_start3A_73 = tpu.memref_slice %arg4[%multiple_of3A_60, %dma_start3A_72] : memref<24576x256xf32, #tpu.memory_space<hbm>> -> memref<128x256xf32, #tpu.memory_space<hbm>>
      tpu.enqueue_dma source(%arg7 : memref<128x256xf32, #tpu.memory_space<vmem>>) target(%dma_start3A_73 : memref<128x256xf32, #tpu.memory_space<hbm>>) target_semaphore(%run_scoped3A : memref<!tpu.dma_semaphore, #tpu.memory_space<semaphore_mem>>)
      %dma_wait3A_74 = arith.constant 0 : i32
      %dma_wait3A_75 = tpu.memref_slice %arg4[%multiple_of3A_60, %dma_wait3A_74] : memref<24576x256xf32, #tpu.memory_space<hbm>> -> memref<128x256xf32, #tpu.memory_space<hbm>>
      %dma_wait3A_76 = arith.constant 0 : i32
      %dma_wait3A_77 = tpu.memref_slice %arg4[%multiple_of3A_60, %dma_wait3A_76] : memref<24576x256xf32, #tpu.memory_space<hbm>> -> memref<128x256xf32, #tpu.memory_space<hbm>>
      tpu.wait_dma2 semaphore(%run_scoped3A : memref<!tpu.dma_semaphore, #tpu.memory_space<semaphore_mem>>) src(%arg7 : memref<128x256xf32, #tpu.memory_space<vmem>>) dst(%dma_wait3A_77 : memref<128x256xf32, #tpu.memory_space<hbm>>)
      tpu.yield
    }) : () -> ()
    %add3A_64 = arith.constant 640 : i32
    %add3A_65 = arith.addi %multiple_of3A, %add3A_64 : i32
    %multiple_of3A_66 = tpu.assume_multiple %add3A_65, 128 : i32
    %dma_wait3A_67 = arith.constant 0 : i32
    %dma_wait3A_68 = arith.constant 0 : i32
    %dma_wait3A_69 = tpu.memref_slice %arg2[%dma_wait3A_67, %dma_wait3A_68] : memref<2048x256xf32, #tpu.memory_space<hbm>> -> memref<2048x256xf32, #tpu.memory_space<hbm>>
    tpu.wait_indirect_dma semaphore(%arg10 : memref<!tpu.dma_semaphore, #tpu.memory_space<semaphore_mem>>) src(%dma_wait3A_69 : memref<2048x256xf32, #tpu.memory_space<hbm>>) dst(%arg8 : memref<128x256xf32, #tpu.memory_space<vmem>>)
    "tpu.region"() ({
      %run_scoped3A = tpu.sem_alloc : memref<!tpu.dma_semaphore, #tpu.memory_space<semaphore_mem>>
      %dma_start3A_70 = arith.constant 0 : i32
      %dma_start3A_71 = tpu.memref_slice %arg4[%multiple_of3A_66, %dma_start3A_70] : memref<24576x256xf32, #tpu.memory_space<hbm>> -> memref<128x256xf32, #tpu.memory_space<hbm>>
      %dma_start3A_72 = arith.constant 0 : i32
      %dma_start3A_73 = tpu.memref_slice %arg4[%multiple_of3A_66, %dma_start3A_72] : memref<24576x256xf32, #tpu.memory_space<hbm>> -> memref<128x256xf32, #tpu.memory_space<hbm>>
      tpu.enqueue_dma source(%arg8 : memref<128x256xf32, #tpu.memory_space<vmem>>) target(%dma_start3A_73 : memref<128x256xf32, #tpu.memory_space<hbm>>) target_semaphore(%run_scoped3A : memref<!tpu.dma_semaphore, #tpu.memory_space<semaphore_mem>>)
      %dma_wait3A_74 = arith.constant 0 : i32
      %dma_wait3A_75 = tpu.memref_slice %arg4[%multiple_of3A_66, %dma_wait3A_74] : memref<24576x256xf32, #tpu.memory_space<hbm>> -> memref<128x256xf32, #tpu.memory_space<hbm>>
      %dma_wait3A_76 = arith.constant 0 : i32
      %dma_wait3A_77 = tpu.memref_slice %arg4[%multiple_of3A_66, %dma_wait3A_76] : memref<24576x256xf32, #tpu.memory_space<hbm>> -> memref<128x256xf32, #tpu.memory_space<hbm>>
      tpu.wait_dma2 semaphore(%run_scoped3A : memref<!tpu.dma_semaphore, #tpu.memory_space<semaphore_mem>>) src(%arg8 : memref<128x256xf32, #tpu.memory_space<vmem>>) dst(%dma_wait3A_77 : memref<128x256xf32, #tpu.memory_space<hbm>>)
      tpu.yield
    }) : () -> ()
    return
  }
}

module attributes {stable_mosaic.version = 14 : i64} {
  func.func @_knn_body(%arg0: i32, %arg1: memref<512x3xf32, #tpu.memory_space<vmem>>, %arg2: memref<512x1xi32, #tpu.memory_space<vmem>>, %arg3: memref<3x2048xf32, #tpu.memory_space<vmem>>, %arg4: memref<1x2048xi32, #tpu.memory_space<vmem>>, %arg5: memref<512x3xi32, #tpu.memory_space<vmem>>, %arg6: memref<512x8xf32, #tpu.memory_space<vmem>>) attributes {dimension_semantics = [#tpu.dimension_semantics<arbitrary>], iteration_bounds = array<i64: 16>, scalar_prefetch = 0 : i64, scratch_operands = 0 : i64, tpu.core_type = #tpu.core_type<tc>, window_params = [{transform_indices = @transform_0, window_bounds = array<i64: 512, 3>}, {transform_indices = @transform_1, window_bounds = array<i64: 512, 1>}, {pipeline_mode = #tpu.pipeline_mode<synchronous>, transform_indices = @transform_2, window_bounds = array<i64: 3, 2048>}, {pipeline_mode = #tpu.pipeline_mode<synchronous>, transform_indices = @transform_3, window_bounds = array<i64: 1, 2048>}, {transform_indices = @transform_4, window_bounds = array<i64: 512, 3>}, {transform_indices = @transform_5, window_bounds = array<i64: 512, 8>}]} {
    %get3A = arith.constant 0 : index
    %get3A_0 = arith.constant 0 : index
    %get3A_1 = vector.load %arg3[%get3A, %get3A_0] : memref<3x2048xf32, #tpu.memory_space<vmem>>, vector<3x2048xf32>
    %get3A_2 = arith.constant 0 : index
    %get3A_3 = arith.constant 0 : index
    %get3A_4 = vector.load %arg4[%get3A_2, %get3A_3] : memref<1x2048xi32, #tpu.memory_space<vmem>>, vector<1x2048xi32>
    %get3A_5 = arith.constant 0 : index
    %get3A_6 = arith.constant 0 : index
    %get3A_7 = vector.load %arg1[%get3A_5, %get3A_6] : memref<512x3xf32, #tpu.memory_space<vmem>>, vector<256x3xf32>
    %get3A_8 = arith.constant 0 : index
    %get3A_9 = arith.constant 0 : index
    %get3A_10 = vector.load %arg2[%get3A_8, %get3A_9] : memref<512x1xi32, #tpu.memory_space<vmem>>, vector<256x1xi32>
    %broadcast_in_dim3A = arith.constant 0.000000e+00 : f32
    %broadcast_in_dim3A_11 = vector.broadcast %broadcast_in_dim3A : f32 to vector<256x2048xf32>
    %slice3A = vector.extract_strided_slice %get3A_7 {offsets = [0, 0], sizes = [256, 1], strides = [1, 1]} : vector<256x3xf32> to vector<256x1xf32>
    %slice3A_12 = vector.extract_strided_slice %get3A_1 {offsets = [0, 0], sizes = [1, 2048], strides = [1, 1]} : vector<3x2048xf32> to vector<1x2048xf32>
    %sub3A = vector.broadcast %slice3A : vector<256x1xf32> to vector<256x2048xf32>
    %sub3A_13 = vector.broadcast %slice3A_12 : vector<1x2048xf32> to vector<256x2048xf32>
    %sub3A_14 = arith.subf %sub3A, %sub3A_13 : vector<256x2048xf32>
    %mul3A = arith.mulf %sub3A_14, %sub3A_14 : vector<256x2048xf32>
    %add3A = arith.addf %broadcast_in_dim3A_11, %mul3A : vector<256x2048xf32>
    %slice3A_15 = vector.extract_strided_slice %get3A_7 {offsets = [0, 1], sizes = [256, 1], strides = [1, 1]} : vector<256x3xf32> to vector<256x1xf32>
    %slice3A_16 = vector.extract_strided_slice %get3A_1 {offsets = [1, 0], sizes = [1, 2048], strides = [1, 1]} : vector<3x2048xf32> to vector<1x2048xf32>
    %sub3A_17 = vector.broadcast %slice3A_15 : vector<256x1xf32> to vector<256x2048xf32>
    %sub3A_18 = vector.broadcast %slice3A_16 : vector<1x2048xf32> to vector<256x2048xf32>
    %sub3A_19 = arith.subf %sub3A_17, %sub3A_18 : vector<256x2048xf32>
    %mul3A_20 = arith.mulf %sub3A_19, %sub3A_19 : vector<256x2048xf32>
    %add3A_21 = arith.addf %add3A, %mul3A_20 : vector<256x2048xf32>
    %slice3A_22 = vector.extract_strided_slice %get3A_7 {offsets = [0, 2], sizes = [256, 1], strides = [1, 1]} : vector<256x3xf32> to vector<256x1xf32>
    %slice3A_23 = vector.extract_strided_slice %get3A_1 {offsets = [2, 0], sizes = [1, 2048], strides = [1, 1]} : vector<3x2048xf32> to vector<1x2048xf32>
    %sub3A_24 = vector.broadcast %slice3A_22 : vector<256x1xf32> to vector<256x2048xf32>
    %sub3A_25 = vector.broadcast %slice3A_23 : vector<1x2048xf32> to vector<256x2048xf32>
    %sub3A_26 = arith.subf %sub3A_24, %sub3A_25 : vector<256x2048xf32>
    %mul3A_27 = arith.mulf %sub3A_26, %sub3A_26 : vector<256x2048xf32>
    %add3A_28 = arith.addf %add3A_21, %mul3A_27 : vector<256x2048xf32>
    %ne3A = vector.broadcast %get3A_10 : vector<256x1xi32> to vector<256x2048xi32>
    %ne3A_29 = vector.broadcast %get3A_4 : vector<1x2048xi32> to vector<256x2048xi32>
    %ne3A_30 = arith.cmpi ne, %ne3A, %ne3A_29 : vector<256x2048xi32>
    %jit3A = arith.constant 1.000000e+30 : f32
    %broadcast_in_dim3A_31 = vector.broadcast %jit3A : f32 to vector<256x2048xf32>
    %select_n3A = arith.select %ne3A_30, %broadcast_in_dim3A_31, %add3A_28 : vector<256x2048xi1>, vector<256x2048xf32>
    %iota3A = tpu.iota {dimensions = array<i32: 1>} : vector<256x2048xi32>
    %reduce_min3A = arith.constant dense<0x7F800000> : vector<256xf32>
    %reduce_min3A_32 = vector.multi_reduction <minimumf>, %select_n3A, %reduce_min3A [1] : vector<256x2048xf32> to vector<256xf32>
    %broadcast_in_dim3A_33 = vector.shape_cast %reduce_min3A_32 : vector<256xf32> to vector<256x1xf32>
    %eq3A = vector.broadcast %broadcast_in_dim3A_33 : vector<256x1xf32> to vector<256x2048xf32>
    %eq3A_34 = arith.cmpf oeq, %select_n3A, %eq3A : vector<256x2048xf32>
    %jit3A_35 = arith.constant 2048 : i32
    %broadcast_in_dim3A_36 = vector.broadcast %jit3A_35 : i32 to vector<256x2048xi32>
    %select_n3A_37 = arith.select %eq3A_34, %iota3A, %broadcast_in_dim3A_36 : vector<256x2048xi1>, vector<256x2048xi32>
    %reduce_min3A_38 = arith.constant dense<2147483647> : vector<256xi32>
    %reduce_min3A_39 = vector.multi_reduction <minsi>, %select_n3A_37, %reduce_min3A_38 [1] : vector<256x2048xi32> to vector<256xi32>
    %broadcast_in_dim3A_40 = vector.shape_cast %reduce_min3A_39 : vector<256xi32> to vector<256x1xi32>
    %eq3A_41 = vector.broadcast %broadcast_in_dim3A_40 : vector<256x1xi32> to vector<256x2048xi32>
    %eq3A_42 = arith.cmpi eq, %iota3A, %eq3A_41 : vector<256x2048xi32>
    %jit3A_43 = arith.constant 9.99999968E+37 : f32
    %broadcast_in_dim3A_44 = vector.broadcast %jit3A_43 : f32 to vector<256x2048xf32>
    %select_n3A_45 = arith.select %eq3A_42, %broadcast_in_dim3A_44, %select_n3A : vector<256x2048xi1>, vector<256x2048xf32>
    %reduce_min3A_46 = arith.constant dense<0x7F800000> : vector<256xf32>
    %reduce_min3A_47 = vector.multi_reduction <minimumf>, %select_n3A_45, %reduce_min3A_46 [1] : vector<256x2048xf32> to vector<256xf32>
    %broadcast_in_dim3A_48 = vector.shape_cast %reduce_min3A_47 : vector<256xf32> to vector<256x1xf32>
    %eq3A_49 = vector.broadcast %broadcast_in_dim3A_48 : vector<256x1xf32> to vector<256x2048xf32>
    %eq3A_50 = arith.cmpf oeq, %select_n3A_45, %eq3A_49 : vector<256x2048xf32>
    %jit3A_51 = arith.constant 2048 : i32
    %broadcast_in_dim3A_52 = vector.broadcast %jit3A_51 : i32 to vector<256x2048xi32>
    %select_n3A_53 = arith.select %eq3A_50, %iota3A, %broadcast_in_dim3A_52 : vector<256x2048xi1>, vector<256x2048xi32>
    %reduce_min3A_54 = arith.constant dense<2147483647> : vector<256xi32>
    %reduce_min3A_55 = vector.multi_reduction <minsi>, %select_n3A_53, %reduce_min3A_54 [1] : vector<256x2048xi32> to vector<256xi32>
    %broadcast_in_dim3A_56 = vector.shape_cast %reduce_min3A_55 : vector<256xi32> to vector<256x1xi32>
    %eq3A_57 = vector.broadcast %broadcast_in_dim3A_56 : vector<256x1xi32> to vector<256x2048xi32>
    %eq3A_58 = arith.cmpi eq, %iota3A, %eq3A_57 : vector<256x2048xi32>
    %jit3A_59 = arith.constant 9.99999968E+37 : f32
    %broadcast_in_dim3A_60 = vector.broadcast %jit3A_59 : f32 to vector<256x2048xf32>
    %select_n3A_61 = arith.select %eq3A_58, %broadcast_in_dim3A_60, %select_n3A_45 : vector<256x2048xi1>, vector<256x2048xf32>
    %reduce_min3A_62 = arith.constant dense<0x7F800000> : vector<256xf32>
    %reduce_min3A_63 = vector.multi_reduction <minimumf>, %select_n3A_61, %reduce_min3A_62 [1] : vector<256x2048xf32> to vector<256xf32>
    %broadcast_in_dim3A_64 = vector.shape_cast %reduce_min3A_63 : vector<256xf32> to vector<256x1xf32>
    %eq3A_65 = vector.broadcast %broadcast_in_dim3A_64 : vector<256x1xf32> to vector<256x2048xf32>
    %eq3A_66 = arith.cmpf oeq, %select_n3A_61, %eq3A_65 : vector<256x2048xf32>
    %jit3A_67 = arith.constant 2048 : i32
    %broadcast_in_dim3A_68 = vector.broadcast %jit3A_67 : i32 to vector<256x2048xi32>
    %select_n3A_69 = arith.select %eq3A_66, %iota3A, %broadcast_in_dim3A_68 : vector<256x2048xi1>, vector<256x2048xi32>
    %reduce_min3A_70 = arith.constant dense<2147483647> : vector<256xi32>
    %reduce_min3A_71 = vector.multi_reduction <minsi>, %select_n3A_69, %reduce_min3A_70 [1] : vector<256x2048xi32> to vector<256xi32>
    %broadcast_in_dim3A_72 = vector.shape_cast %reduce_min3A_71 : vector<256xi32> to vector<256x1xi32>
    %max3A = arith.constant 1.000000e-16 : f32
    %max3A_73 = vector.broadcast %max3A : f32 to vector<256x1xf32>
    %max3A_74 = arith.maximumf %broadcast_in_dim3A_33, %max3A_73 : vector<256x1xf32>
    %div3A = arith.constant 1.000000e+00 : f32
    %div3A_75 = vector.broadcast %div3A : f32 to vector<256x1xf32>
    %div3A_76 = arith.divf %div3A_75, %max3A_74 : vector<256x1xf32>
    %max3A_77 = arith.constant 1.000000e-16 : f32
    %max3A_78 = vector.broadcast %max3A_77 : f32 to vector<256x1xf32>
    %max3A_79 = arith.maximumf %broadcast_in_dim3A_48, %max3A_78 : vector<256x1xf32>
    %div3A_80 = arith.constant 1.000000e+00 : f32
    %div3A_81 = vector.broadcast %div3A_80 : f32 to vector<256x1xf32>
    %div3A_82 = arith.divf %div3A_81, %max3A_79 : vector<256x1xf32>
    %max3A_83 = arith.constant 1.000000e-16 : f32
    %max3A_84 = vector.broadcast %max3A_83 : f32 to vector<256x1xf32>
    %max3A_85 = arith.maximumf %broadcast_in_dim3A_64, %max3A_84 : vector<256x1xf32>
    %div3A_86 = arith.constant 1.000000e+00 : f32
    %div3A_87 = vector.broadcast %div3A_86 : f32 to vector<256x1xf32>
    %div3A_88 = arith.divf %div3A_87, %max3A_85 : vector<256x1xf32>
    %add3A_89 = arith.addf %div3A_76, %div3A_82 : vector<256x1xf32>
    %add3A_90 = arith.addf %add3A_89, %div3A_88 : vector<256x1xf32>
    %div3A_91 = arith.divf %div3A_76, %add3A_90 : vector<256x1xf32>
    %div3A_92 = arith.divf %div3A_82, %add3A_90 : vector<256x1xf32>
    %div3A_93 = arith.divf %div3A_88, %add3A_90 : vector<256x1xf32>
    %concatenate3A = tpu.concatenate %broadcast_in_dim3A_40, %broadcast_in_dim3A_56, %broadcast_in_dim3A_72 in 1 : vector<256x1xi32>, vector<256x1xi32>, vector<256x1xi32> -> vector<256x3xi32>
    %broadcast_in_dim3A_94 = arith.constant 0.000000e+00 : f32
    %broadcast_in_dim3A_95 = vector.broadcast %broadcast_in_dim3A_94 : f32 to vector<256x5xf32>
    %concatenate3A_96 = tpu.concatenate %div3A_91, %div3A_92, %div3A_93, %broadcast_in_dim3A_95 in 1 : vector<256x1xf32>, vector<256x1xf32>, vector<256x1xf32>, vector<256x5xf32> -> vector<256x8xf32>
    %get3A_97 = arith.constant 256 : index
    %get3A_98 = arith.constant 0 : index
    %get3A_99 = vector.load %arg1[%get3A_97, %get3A_98] : memref<512x3xf32, #tpu.memory_space<vmem>>, vector<256x3xf32>
    %get3A_100 = arith.constant 256 : index
    %get3A_101 = arith.constant 0 : index
    %get3A_102 = vector.load %arg2[%get3A_100, %get3A_101] : memref<512x1xi32, #tpu.memory_space<vmem>>, vector<256x1xi32>
    %broadcast_in_dim3A_103 = arith.constant 0.000000e+00 : f32
    %broadcast_in_dim3A_104 = vector.broadcast %broadcast_in_dim3A_103 : f32 to vector<256x2048xf32>
    %slice3A_105 = vector.extract_strided_slice %get3A_99 {offsets = [0, 0], sizes = [256, 1], strides = [1, 1]} : vector<256x3xf32> to vector<256x1xf32>
    %slice3A_106 = vector.extract_strided_slice %get3A_1 {offsets = [0, 0], sizes = [1, 2048], strides = [1, 1]} : vector<3x2048xf32> to vector<1x2048xf32>
    %sub3A_107 = vector.broadcast %slice3A_105 : vector<256x1xf32> to vector<256x2048xf32>
    %sub3A_108 = vector.broadcast %slice3A_106 : vector<1x2048xf32> to vector<256x2048xf32>
    %sub3A_109 = arith.subf %sub3A_107, %sub3A_108 : vector<256x2048xf32>
    %mul3A_110 = arith.mulf %sub3A_109, %sub3A_109 : vector<256x2048xf32>
    %add3A_111 = arith.addf %broadcast_in_dim3A_104, %mul3A_110 : vector<256x2048xf32>
    %slice3A_112 = vector.extract_strided_slice %get3A_99 {offsets = [0, 1], sizes = [256, 1], strides = [1, 1]} : vector<256x3xf32> to vector<256x1xf32>
    %slice3A_113 = vector.extract_strided_slice %get3A_1 {offsets = [1, 0], sizes = [1, 2048], strides = [1, 1]} : vector<3x2048xf32> to vector<1x2048xf32>
    %sub3A_114 = vector.broadcast %slice3A_112 : vector<256x1xf32> to vector<256x2048xf32>
    %sub3A_115 = vector.broadcast %slice3A_113 : vector<1x2048xf32> to vector<256x2048xf32>
    %sub3A_116 = arith.subf %sub3A_114, %sub3A_115 : vector<256x2048xf32>
    %mul3A_117 = arith.mulf %sub3A_116, %sub3A_116 : vector<256x2048xf32>
    %add3A_118 = arith.addf %add3A_111, %mul3A_117 : vector<256x2048xf32>
    %slice3A_119 = vector.extract_strided_slice %get3A_99 {offsets = [0, 2], sizes = [256, 1], strides = [1, 1]} : vector<256x3xf32> to vector<256x1xf32>
    %slice3A_120 = vector.extract_strided_slice %get3A_1 {offsets = [2, 0], sizes = [1, 2048], strides = [1, 1]} : vector<3x2048xf32> to vector<1x2048xf32>
    %sub3A_121 = vector.broadcast %slice3A_119 : vector<256x1xf32> to vector<256x2048xf32>
    %sub3A_122 = vector.broadcast %slice3A_120 : vector<1x2048xf32> to vector<256x2048xf32>
    %sub3A_123 = arith.subf %sub3A_121, %sub3A_122 : vector<256x2048xf32>
    %mul3A_124 = arith.mulf %sub3A_123, %sub3A_123 : vector<256x2048xf32>
    %add3A_125 = arith.addf %add3A_118, %mul3A_124 : vector<256x2048xf32>
    %ne3A_126 = vector.broadcast %get3A_102 : vector<256x1xi32> to vector<256x2048xi32>
    %ne3A_127 = vector.broadcast %get3A_4 : vector<1x2048xi32> to vector<256x2048xi32>
    %ne3A_128 = arith.cmpi ne, %ne3A_126, %ne3A_127 : vector<256x2048xi32>
    %jit3A_129 = arith.constant 1.000000e+30 : f32
    %broadcast_in_dim3A_130 = vector.broadcast %jit3A_129 : f32 to vector<256x2048xf32>
    %select_n3A_131 = arith.select %ne3A_128, %broadcast_in_dim3A_130, %add3A_125 : vector<256x2048xi1>, vector<256x2048xf32>
    %iota3A_132 = tpu.iota {dimensions = array<i32: 1>} : vector<256x2048xi32>
    %reduce_min3A_133 = arith.constant dense<0x7F800000> : vector<256xf32>
    %reduce_min3A_134 = vector.multi_reduction <minimumf>, %select_n3A_131, %reduce_min3A_133 [1] : vector<256x2048xf32> to vector<256xf32>
    %broadcast_in_dim3A_135 = vector.shape_cast %reduce_min3A_134 : vector<256xf32> to vector<256x1xf32>
    %eq3A_136 = vector.broadcast %broadcast_in_dim3A_135 : vector<256x1xf32> to vector<256x2048xf32>
    %eq3A_137 = arith.cmpf oeq, %select_n3A_131, %eq3A_136 : vector<256x2048xf32>
    %jit3A_138 = arith.constant 2048 : i32
    %broadcast_in_dim3A_139 = vector.broadcast %jit3A_138 : i32 to vector<256x2048xi32>
    %select_n3A_140 = arith.select %eq3A_137, %iota3A_132, %broadcast_in_dim3A_139 : vector<256x2048xi1>, vector<256x2048xi32>
    %reduce_min3A_141 = arith.constant dense<2147483647> : vector<256xi32>
    %reduce_min3A_142 = vector.multi_reduction <minsi>, %select_n3A_140, %reduce_min3A_141 [1] : vector<256x2048xi32> to vector<256xi32>
    %broadcast_in_dim3A_143 = vector.shape_cast %reduce_min3A_142 : vector<256xi32> to vector<256x1xi32>
    %eq3A_144 = vector.broadcast %broadcast_in_dim3A_143 : vector<256x1xi32> to vector<256x2048xi32>
    %eq3A_145 = arith.cmpi eq, %iota3A_132, %eq3A_144 : vector<256x2048xi32>
    %jit3A_146 = arith.constant 9.99999968E+37 : f32
    %broadcast_in_dim3A_147 = vector.broadcast %jit3A_146 : f32 to vector<256x2048xf32>
    %select_n3A_148 = arith.select %eq3A_145, %broadcast_in_dim3A_147, %select_n3A_131 : vector<256x2048xi1>, vector<256x2048xf32>
    %reduce_min3A_149 = arith.constant dense<0x7F800000> : vector<256xf32>
    %reduce_min3A_150 = vector.multi_reduction <minimumf>, %select_n3A_148, %reduce_min3A_149 [1] : vector<256x2048xf32> to vector<256xf32>
    %broadcast_in_dim3A_151 = vector.shape_cast %reduce_min3A_150 : vector<256xf32> to vector<256x1xf32>
    %eq3A_152 = vector.broadcast %broadcast_in_dim3A_151 : vector<256x1xf32> to vector<256x2048xf32>
    %eq3A_153 = arith.cmpf oeq, %select_n3A_148, %eq3A_152 : vector<256x2048xf32>
    %jit3A_154 = arith.constant 2048 : i32
    %broadcast_in_dim3A_155 = vector.broadcast %jit3A_154 : i32 to vector<256x2048xi32>
    %select_n3A_156 = arith.select %eq3A_153, %iota3A_132, %broadcast_in_dim3A_155 : vector<256x2048xi1>, vector<256x2048xi32>
    %reduce_min3A_157 = arith.constant dense<2147483647> : vector<256xi32>
    %reduce_min3A_158 = vector.multi_reduction <minsi>, %select_n3A_156, %reduce_min3A_157 [1] : vector<256x2048xi32> to vector<256xi32>
    %broadcast_in_dim3A_159 = vector.shape_cast %reduce_min3A_158 : vector<256xi32> to vector<256x1xi32>
    %eq3A_160 = vector.broadcast %broadcast_in_dim3A_159 : vector<256x1xi32> to vector<256x2048xi32>
    %eq3A_161 = arith.cmpi eq, %iota3A_132, %eq3A_160 : vector<256x2048xi32>
    %jit3A_162 = arith.constant 9.99999968E+37 : f32
    %broadcast_in_dim3A_163 = vector.broadcast %jit3A_162 : f32 to vector<256x2048xf32>
    %select_n3A_164 = arith.select %eq3A_161, %broadcast_in_dim3A_163, %select_n3A_148 : vector<256x2048xi1>, vector<256x2048xf32>
    %reduce_min3A_165 = arith.constant dense<0x7F800000> : vector<256xf32>
    %reduce_min3A_166 = vector.multi_reduction <minimumf>, %select_n3A_164, %reduce_min3A_165 [1] : vector<256x2048xf32> to vector<256xf32>
    %broadcast_in_dim3A_167 = vector.shape_cast %reduce_min3A_166 : vector<256xf32> to vector<256x1xf32>
    %eq3A_168 = vector.broadcast %broadcast_in_dim3A_167 : vector<256x1xf32> to vector<256x2048xf32>
    %eq3A_169 = arith.cmpf oeq, %select_n3A_164, %eq3A_168 : vector<256x2048xf32>
    %jit3A_170 = arith.constant 2048 : i32
    %broadcast_in_dim3A_171 = vector.broadcast %jit3A_170 : i32 to vector<256x2048xi32>
    %select_n3A_172 = arith.select %eq3A_169, %iota3A_132, %broadcast_in_dim3A_171 : vector<256x2048xi1>, vector<256x2048xi32>
    %reduce_min3A_173 = arith.constant dense<2147483647> : vector<256xi32>
    %reduce_min3A_174 = vector.multi_reduction <minsi>, %select_n3A_172, %reduce_min3A_173 [1] : vector<256x2048xi32> to vector<256xi32>
    %broadcast_in_dim3A_175 = vector.shape_cast %reduce_min3A_174 : vector<256xi32> to vector<256x1xi32>
    %max3A_176 = arith.constant 1.000000e-16 : f32
    %max3A_177 = vector.broadcast %max3A_176 : f32 to vector<256x1xf32>
    %max3A_178 = arith.maximumf %broadcast_in_dim3A_135, %max3A_177 : vector<256x1xf32>
    %div3A_179 = arith.constant 1.000000e+00 : f32
    %div3A_180 = vector.broadcast %div3A_179 : f32 to vector<256x1xf32>
    %div3A_181 = arith.divf %div3A_180, %max3A_178 : vector<256x1xf32>
    %max3A_182 = arith.constant 1.000000e-16 : f32
    %max3A_183 = vector.broadcast %max3A_182 : f32 to vector<256x1xf32>
    %max3A_184 = arith.maximumf %broadcast_in_dim3A_151, %max3A_183 : vector<256x1xf32>
    %div3A_185 = arith.constant 1.000000e+00 : f32
    %div3A_186 = vector.broadcast %div3A_185 : f32 to vector<256x1xf32>
    %div3A_187 = arith.divf %div3A_186, %max3A_184 : vector<256x1xf32>
    %max3A_188 = arith.constant 1.000000e-16 : f32
    %max3A_189 = vector.broadcast %max3A_188 : f32 to vector<256x1xf32>
    %max3A_190 = arith.maximumf %broadcast_in_dim3A_167, %max3A_189 : vector<256x1xf32>
    %div3A_191 = arith.constant 1.000000e+00 : f32
    %div3A_192 = vector.broadcast %div3A_191 : f32 to vector<256x1xf32>
    %div3A_193 = arith.divf %div3A_192, %max3A_190 : vector<256x1xf32>
    %add3A_194 = arith.addf %div3A_181, %div3A_187 : vector<256x1xf32>
    %add3A_195 = arith.addf %add3A_194, %div3A_193 : vector<256x1xf32>
    %div3A_196 = arith.divf %div3A_181, %add3A_195 : vector<256x1xf32>
    %div3A_197 = arith.divf %div3A_187, %add3A_195 : vector<256x1xf32>
    %div3A_198 = arith.divf %div3A_193, %add3A_195 : vector<256x1xf32>
    %concatenate3A_199 = tpu.concatenate %broadcast_in_dim3A_143, %broadcast_in_dim3A_159, %broadcast_in_dim3A_175 in 1 : vector<256x1xi32>, vector<256x1xi32>, vector<256x1xi32> -> vector<256x3xi32>
    %broadcast_in_dim3A_200 = arith.constant 0.000000e+00 : f32
    %broadcast_in_dim3A_201 = vector.broadcast %broadcast_in_dim3A_200 : f32 to vector<256x5xf32>
    %concatenate3A_202 = tpu.concatenate %div3A_196, %div3A_197, %div3A_198, %broadcast_in_dim3A_201 in 1 : vector<256x1xf32>, vector<256x1xf32>, vector<256x1xf32>, vector<256x5xf32> -> vector<256x8xf32>
    %concatenate3A_203 = tpu.concatenate %concatenate3A, %concatenate3A_199 in 0 : vector<256x3xi32>, vector<256x3xi32> -> vector<512x3xi32>
    %swap3A = arith.constant 0 : index
    %swap3A_204 = arith.constant 0 : index
    %swap3A_205 = vector.load %arg5[%swap3A, %swap3A_204] : memref<512x3xi32, #tpu.memory_space<vmem>>, vector<512x3xi32>
    tpu.vector_store %arg5[%swap3A, %swap3A_204], %concatenate3A_203 {strides = array<i32>} : memref<512x3xi32, #tpu.memory_space<vmem>>, vector<512x3xi32>,
    %concatenate3A_206 = tpu.concatenate %concatenate3A_96, %concatenate3A_202 in 0 : vector<256x8xf32>, vector<256x8xf32> -> vector<512x8xf32>
    %swap3A_207 = arith.constant 0 : index
    %swap3A_208 = arith.constant 0 : index
    %swap3A_209 = vector.load %arg6[%swap3A_207, %swap3A_208] : memref<512x8xf32, #tpu.memory_space<vmem>>, vector<512x8xf32>
    tpu.vector_store %arg6[%swap3A_207, %swap3A_208], %concatenate3A_206 {strides = array<i32>} : memref<512x8xf32, #tpu.memory_space<vmem>>, vector<512x8xf32>,
    return
  }
  func.func @transform_0(%arg0: i32) -> (i32, i32) {
    %c0_i32 = arith.constant 0 : i32
    %c0_i32_0 = arith.constant 0 : i32
    return %arg0, %c0_i32 : i32, i32
  }
  func.func @transform_1(%arg0: i32) -> (i32, i32) {
    %c0_i32 = arith.constant 0 : i32
    %c0_i32_0 = arith.constant 0 : i32
    return %arg0, %c0_i32 : i32, i32
  }
  func.func @transform_2(%arg0: i32) -> (i32, i32) {
    %c0_i32 = arith.constant 0 : i32
    %c0_i32_0 = arith.constant 0 : i32
    %c0_i32_1 = arith.constant 0 : i32
    return %c0_i32, %c0_i32_0 : i32, i32
  }
  func.func @transform_3(%arg0: i32) -> (i32, i32) {
    %c0_i32 = arith.constant 0 : i32
    %c0_i32_0 = arith.constant 0 : i32
    %c0_i32_1 = arith.constant 0 : i32
    return %c0_i32, %c0_i32_0 : i32, i32
  }
  func.func @transform_4(%arg0: i32) -> (i32, i32) {
    %c0_i32 = arith.constant 0 : i32
    %c0_i32_0 = arith.constant 0 : i32
    return %arg0, %c0_i32 : i32, i32
  }
  func.func @transform_5(%arg0: i32) -> (i32, i32) {
    %c0_i32 = arith.constant 0 : i32
    %c0_i32_0 = arith.constant 0 : i32
    return %arg0, %c0_i32 : i32, i32
  }
}

module attributes {stable_mosaic.version = 14 : i64} {
  func.func @_skipmm_body(%arg0: i32, %arg1: memref<512x128xf32, #tpu.memory_space<vmem>>, %arg2: memref<128x256xf32, #tpu.memory_space<vmem>>, %arg3: memref<1x256xf32, #tpu.memory_space<vmem>>, %arg4: memref<512x256xf32, #tpu.memory_space<vmem>>) attributes {dimension_semantics = [#tpu.dimension_semantics<arbitrary>], iteration_bounds = array<i64: 16>, scalar_prefetch = 0 : i64, scratch_operands = 0 : i64, tpu.core_type = #tpu.core_type<tc>, window_params = [{transform_indices = @transform_0, window_bounds = array<i64: 512, 128>}, {pipeline_mode = #tpu.pipeline_mode<synchronous>, transform_indices = @transform_1, window_bounds = array<i64: 128, 256>}, {pipeline_mode = #tpu.pipeline_mode<synchronous>, transform_indices = @transform_2, window_bounds = array<i64: 1, 256>}, {transform_indices = @transform_3, window_bounds = array<i64: 512, 256>}]} {
    %get3A = arith.constant 0 : index
    %get3A_0 = arith.constant 0 : index
    %get3A_1 = vector.load %arg1[%get3A, %get3A_0] : memref<512x128xf32, #tpu.memory_space<vmem>>, vector<512x128xf32>
    %get3A_2 = arith.constant 0 : index
    %get3A_3 = arith.constant 0 : index
    %get3A_4 = vector.load %arg2[%get3A_2, %get3A_3] : memref<128x256xf32, #tpu.memory_space<vmem>>, vector<128x256xf32>
    %dot_general3A = arith.constant dense<0.000000e+00> : vector<512x256xf32>
    %dot_general3A_5 = tpu.matmul %get3A_1, %get3A_4, %dot_general3A {dimension_numbers = #tpu.dot_dimension_numbers<[1], [0], [0], [1], [0, 0, 1, 1], [], []>, transpose_lhs_hint = false} : vector<512x128xf32>, vector<128x256xf32>, vector<512x256xf32> -> vector<512x256xf32>
    %get3A_6 = arith.constant 0 : index
    %get3A_7 = arith.constant 0 : index
    %get3A_8 = vector.load %arg3[%get3A_6, %get3A_7] : memref<1x256xf32, #tpu.memory_space<vmem>>, vector<1x256xf32>
    %add3A = vector.broadcast %get3A_8 : vector<1x256xf32> to vector<512x256xf32>
    %add3A_9 = arith.addf %dot_general3A_5, %add3A : vector<512x256xf32>
    %swap3A = arith.constant 0 : index
    %swap3A_10 = arith.constant 0 : index
    %swap3A_11 = vector.load %arg4[%swap3A, %swap3A_10] : memref<512x256xf32, #tpu.memory_space<vmem>>, vector<512x256xf32>
    tpu.vector_store %arg4[%swap3A, %swap3A_10], %add3A_9 {strides = array<i32>} : memref<512x256xf32, #tpu.memory_space<vmem>>, vector<512x256xf32>,
    return
  }
  func.func @transform_0(%arg0: i32) -> (i32, i32) {
    %c0_i32 = arith.constant 0 : i32
    %c0_i32_0 = arith.constant 0 : i32
    return %arg0, %c0_i32 : i32, i32
  }
  func.func @transform_1(%arg0: i32) -> (i32, i32) {
    %c0_i32 = arith.constant 0 : i32
    %c0_i32_0 = arith.constant 0 : i32
    %c0_i32_1 = arith.constant 0 : i32
    return %c0_i32, %c0_i32_0 : i32, i32
  }
  func.func @transform_2(%arg0: i32) -> (i32, i32) {
    %c0_i32 = arith.constant 0 : i32
    %c0_i32_0 = arith.constant 0 : i32
    %c0_i32_1 = arith.constant 0 : i32
    return %c0_i32, %c0_i32_0 : i32, i32
  }
  func.func @transform_3(%arg0: i32) -> (i32, i32) {
    %c0_i32 = arith.constant 0 : i32
    %c0_i32_0 = arith.constant 0 : i32
    return %arg0, %c0_i32 : i32, i32
  }
}

module attributes {stable_mosaic.version = 14 : i64} {
  func.func @_mlp_body(%arg0: i32, %arg1: memref<512x768xf32, #tpu.memory_space<vmem>>, %arg2: memref<512x8xf32, #tpu.memory_space<vmem>>, %arg3: memref<512x256xf32, #tpu.memory_space<vmem>>, %arg4: memref<256x256xf32, #tpu.memory_space<vmem>>, %arg5: memref<256x256xf32, #tpu.memory_space<vmem>>, %arg6: memref<1x256xf32, #tpu.memory_space<vmem>>, %arg7: memref<512x256xf32, #tpu.memory_space<vmem>>) attributes {dimension_semantics = [#tpu.dimension_semantics<arbitrary>], iteration_bounds = array<i64: 16>, scalar_prefetch = 0 : i64, scratch_operands = 0 : i64, tpu.core_type = #tpu.core_type<tc>, window_params = [{transform_indices = @transform_0, window_bounds = array<i64: 512, 768>}, {transform_indices = @transform_1, window_bounds = array<i64: 512, 8>}, {transform_indices = @transform_2, window_bounds = array<i64: 512, 256>}, {pipeline_mode = #tpu.pipeline_mode<synchronous>, transform_indices = @transform_3, window_bounds = array<i64: 256, 256>}, {pipeline_mode = #tpu.pipeline_mode<synchronous>, transform_indices = @transform_4, window_bounds = array<i64: 256, 256>}, {pipeline_mode = #tpu.pipeline_mode<synchronous>, transform_indices = @transform_5, window_bounds = array<i64: 1, 256>}, {transform_indices = @transform_6, window_bounds = array<i64: 512, 256>}]} {
    %get3A = arith.constant 0 : index
    %get3A_0 = arith.constant 0 : index
    %get3A_1 = vector.load %arg1[%get3A, %get3A_0] : memref<512x768xf32, #tpu.memory_space<vmem>>, vector<512x768xf32>
    %get3A_2 = arith.constant 0 : index
    %get3A_3 = arith.constant 0 : index
    %get3A_4 = vector.load %arg2[%get3A_2, %get3A_3] : memref<512x8xf32, #tpu.memory_space<vmem>>, vector<512x1xf32>
    %slice3A = vector.extract_strided_slice %get3A_1 {offsets = [0, 0], sizes = [512, 256], strides = [1, 1]} : vector<512x768xf32> to vector<512x256xf32>
    %mul3A = vector.broadcast %get3A_4 : vector<512x1xf32> to vector<512x256xf32>
    %mul3A_5 = arith.mulf %mul3A, %slice3A : vector<512x256xf32>
    %get3A_6 = arith.constant 0 : index
    %get3A_7 = arith.constant 1 : index
    %get3A_8 = vector.load %arg2[%get3A_6, %get3A_7] : memref<512x8xf32, #tpu.memory_space<vmem>>, vector<512x1xf32>
    %slice3A_9 = vector.extract_strided_slice %get3A_1 {offsets = [0, 256], sizes = [512, 256], strides = [1, 1]} : vector<512x768xf32> to vector<512x256xf32>
    %mul3A_10 = vector.broadcast %get3A_8 : vector<512x1xf32> to vector<512x256xf32>
    %mul3A_11 = arith.mulf %mul3A_10, %slice3A_9 : vector<512x256xf32>
    %add3A = arith.addf %mul3A_5, %mul3A_11 : vector<512x256xf32>
    %get3A_12 = arith.constant 0 : index
    %get3A_13 = arith.constant 2 : index
    %get3A_14 = vector.load %arg2[%get3A_12, %get3A_13] : memref<512x8xf32, #tpu.memory_space<vmem>>, vector<512x1xf32>
    %slice3A_15 = vector.extract_strided_slice %get3A_1 {offsets = [0, 512], sizes = [512, 256], strides = [1, 1]} : vector<512x768xf32> to vector<512x256xf32>
    %mul3A_16 = vector.broadcast %get3A_14 : vector<512x1xf32> to vector<512x256xf32>
    %mul3A_17 = arith.mulf %mul3A_16, %slice3A_15 : vector<512x256xf32>
    %add3A_18 = arith.addf %add3A, %mul3A_17 : vector<512x256xf32>
    %get3A_19 = arith.constant 0 : index
    %get3A_20 = arith.constant 0 : index
    %get3A_21 = vector.load %arg4[%get3A_19, %get3A_20] : memref<256x256xf32, #tpu.memory_space<vmem>>, vector<256x256xf32>
    %dot_general3A = arith.constant dense<0.000000e+00> : vector<512x256xf32>
    %dot_general3A_22 = tpu.matmul %add3A_18, %get3A_21, %dot_general3A {dimension_numbers = #tpu.dot_dimension_numbers<[1], [0], [0], [1], [0, 0, 1, 1], [], []>, transpose_lhs_hint = false} : vector<512x256xf32>, vector<256x256xf32>, vector<512x256xf32> -> vector<512x256xf32>
    %get3A_23 = arith.constant 0 : index
    %get3A_24 = arith.constant 0 : index
    %get3A_25 = vector.load %arg3[%get3A_23, %get3A_24] : memref<512x256xf32, #tpu.memory_space<vmem>>, vector<512x256xf32>
    %add3A_26 = arith.addf %dot_general3A_22, %get3A_25 : vector<512x256xf32>
    %max3A = arith.constant 0.000000e+00 : f32
    %max3A_27 = vector.broadcast %max3A : f32 to vector<512x256xf32>
    %max3A_28 = arith.maximumf %add3A_26, %max3A_27 : vector<512x256xf32>
    %get3A_29 = arith.constant 0 : index
    %get3A_30 = arith.constant 0 : index
    %get3A_31 = vector.load %arg5[%get3A_29, %get3A_30] : memref<256x256xf32, #tpu.memory_space<vmem>>, vector<256x256xf32>
    %dot_general3A_32 = arith.constant dense<0.000000e+00> : vector<512x256xf32>
    %dot_general3A_33 = tpu.matmul %max3A_28, %get3A_31, %dot_general3A_32 {dimension_numbers = #tpu.dot_dimension_numbers<[1], [0], [0], [1], [0, 0, 1, 1], [], []>, transpose_lhs_hint = false} : vector<512x256xf32>, vector<256x256xf32>, vector<512x256xf32> -> vector<512x256xf32>
    %get3A_34 = arith.constant 0 : index
    %get3A_35 = arith.constant 0 : index
    %get3A_36 = vector.load %arg6[%get3A_34, %get3A_35] : memref<1x256xf32, #tpu.memory_space<vmem>>, vector<1x256xf32>
    %add3A_37 = vector.broadcast %get3A_36 : vector<1x256xf32> to vector<512x256xf32>
    %add3A_38 = arith.addf %dot_general3A_33, %add3A_37 : vector<512x256xf32>
    %swap3A = arith.constant 0 : index
    %swap3A_39 = arith.constant 0 : index
    %swap3A_40 = vector.load %arg7[%swap3A, %swap3A_39] : memref<512x256xf32, #tpu.memory_space<vmem>>, vector<512x256xf32>
    tpu.vector_store %arg7[%swap3A, %swap3A_39], %add3A_38 {strides = array<i32>} : memref<512x256xf32, #tpu.memory_space<vmem>>, vector<512x256xf32>,
    return
  }
  func.func @transform_0(%arg0: i32) -> (i32, i32) {
    %c0_i32 = arith.constant 0 : i32
    %c0_i32_0 = arith.constant 0 : i32
    return %arg0, %c0_i32 : i32, i32
  }
  func.func @transform_1(%arg0: i32) -> (i32, i32) {
    %c0_i32 = arith.constant 0 : i32
    %c0_i32_0 = arith.constant 0 : i32
    return %arg0, %c0_i32 : i32, i32
  }
  func.func @transform_2(%arg0: i32) -> (i32, i32) {
    %c0_i32 = arith.constant 0 : i32
    %c0_i32_0 = arith.constant 0 : i32
    return %arg0, %c0_i32 : i32, i32
  }
  func.func @transform_3(%arg0: i32) -> (i32, i32) {
    %c0_i32 = arith.constant 0 : i32
    %c0_i32_0 = arith.constant 0 : i32
    %c0_i32_1 = arith.constant 0 : i32
    return %c0_i32, %c0_i32_0 : i32, i32
  }
  func.func @transform_4(%arg0: i32) -> (i32, i32) {
    %c0_i32 = arith.constant 0 : i32
    %c0_i32_0 = arith.constant 0 : i32
    %c0_i32_1 = arith.constant 0 : i32
    return %c0_i32, %c0_i32_0 : i32, i32
  }
  func.func @transform_5(%arg0: i32) -> (i32, i32) {
    %c0_i32 = arith.constant 0 : i32
    %c0_i32_0 = arith.constant 0 : i32
    %c0_i32_1 = arith.constant 0 : i32
    return %c0_i32, %c0_i32_0 : i32, i32
  }
  func.func @transform_6(%arg0: i32) -> (i32, i32) {
    %c0_i32 = arith.constant 0 : i32
    %c0_i32_0 = arith.constant 0 : i32
    return %arg0, %c0_i32 : i32, i32
  }
}

</mosaic_0001>

<sc_bundles>
// kernel: kernel.6.cloned.1.call-start
scs
__scs_entry_jumppad:
0x0: {  	(pc) =	sbr.rel $0x88, $3  }
0x1: {  	(tag) =	ssettag $0x0;
	lr =	simm.s32 $0x1  }
0x2: {  	[smem:$0x3F97] =	sst lr;
	_ =	strace $0xD0000000  }
0x3: {  	_ = 	snop  }
0x4: {  	_ = 	snop  }
0x5: {  	_ = 	snop  }
0x6: {  	_ = 	snop  }
0x7: {  	_ = 	snop  }
__scs_overlays_trampoline_lowered:
0x8: {  	[smem:$0x3FA6] =	sst s0  }
0x9: {  	[smem:$0x3FA7] =	sst s1  }
0xa: {  	[smem:$0x3FA8] =	sst s2  }
0xb: {  	[smem:$0x3FA9] =	sst s3  }
0xc: {  	[smem:$0x3FAA] =	sst s4  }
0xd: {  	[smem:$0x3FAB] =	sst s5  }
0xe: {  	[smem:$0x3FAC] =	sst s6  }
0xf: {  	[smem:$0x3FAD] =	sst s7  }
0x10: {  	[smem:$0x3FAE] =	sst s8  }
0x11: {  	[smem:$0x3FAF] =	sst s9;
	s0 =	simm.s32 @!p0 $0x0  }
0x12: {  	s1 =	sld [smem:$0x3F95];
	s0 =	simm.s32 @p0 $0x1  }
0x13: {  	[smem:$0x3FB0] =	sst s0;
	s0 =	simm.s32 @!p1 $0x0  }
0x14: {  	s2 =	sld [smem:$0x3F94];
	s0 =	simm.s32 @p1 $0x1  }
0x15: {  	[smem:$0x3FB1] =	sst s0;
	s0 =	simm.s32 @!p2 $0x0  }
0x16: {  	s3 =	sld [smem:$0x3FDB];
	s0 =	simm.s32 @p2 $0x1  }
0x17: {  	s4 =	simm.s32 $0x1BF5;
	[smem:$0x3FB3] =	sst s0  }
0x18: {  	s0 =	sld [smem:$0x3F96];
	_ =	swait.ge [sflag:s4], $0x0  }
0x19: {  	s7 =	sld [smem:$0x3F97]  }
0x1a: {  	s8 =	sadd.s32 $0xFFFFE003, lr  }
0x1b: {  	s9 =	sadd.s32 $0xFFFFFEF7, lr;
	s5 =	simm.s32 $0xFFFFFFFF;
	p2 =	slt.u32 s8, $0xFFFFF086  }
0x1c: {  	p1 =	slt.u32 s9, $0xF7A;
	s5 =	simm.s32 @!p2 $0x0  }
0x1d: {  	s5 =	simm.s32 @p1 $0x1;
	p0 =	seq.s32 s7, s2  }
0x1e: {  	s7 =	smul.u32 @!p0 $0xF7A, s2;
	p2 =	seq.s32 @!p0 s5, $0x0  }
0x1f: {  	s9 =	smul.u32 $0xF7A, s1;
	s8 =	simm.s32 @!p0 $0x1BF5;
	p2 =	por !p2, p0  }
0x20: {  	[sflag:s8] =	ssyncset.s32 @!p0 $0xFFFFF086;
	s6 =	sadd.s32 @!p0 s3, s7;
	s7 =	simm.s32 @!p0 $0x108  }
0x21: {  	s3 =	sadd.s32 s3, s9;
	s6 =	sadd.s32 @!p0 $0x88, s6;
	s7 =	simm.s32 @p2 $0x1082  }
0x22: {  	[simem:s7], [sflag:s8] =	dma.local @!p0 [hbm:s6], $0xF7A  }
0x23: {  	s9 =	sor.u32 $0xD0000000, s2;
	s6 =	simm.s32 $0x108;
	_ =	swait.ge @!p0 [sflag:s8], $0x0  }
0x24: {  	s3 =	sadd.s32 $0x88, s3;
	s6 =	simm.s32 @!p1 $0x1082;
	[sflag:s4] =	ssyncset.s32 $0xFFFFF086  }
0x25: {  	[simem:s6], [sflag:s4] =	dma.local [hbm:s3], $0xF7A  }
0x26: {  	[smem:$0x3F97] =	sst s1;
	(tag) =	ssettag s2;
	_ =	strace s9  }
0x27: {  	s1 =	sld [smem:$0x3FA7]  }
0x28: {  	s2 =	sld [smem:$0x3FA8]  }
0x29: {  	s4 =	sld [smem:$0x3FAA]  }
0x2a: {  	p0 =	seq.s32 s5, $0x0;
	s5 =	sld [smem:$0x3FAB]  }
0x2b: {  	s6 =	sld [smem:$0x3FAC]  }
0x2c: {  	s7 =	sld [smem:$0x3FAD]  }
0x2d: {  	s3 =	simm.s32 $0x108;
	s8 =	sld [smem:$0x3FAE]  }
0x2e: {  	s3 =	simm.s32 @!p0 $0x1082;
	s9 =	sld [smem:$0x3FAF]  }
0x2f: {  	lr =	sadd.s32 s0, s3;
	s0 =	sld [smem:$0x3FA6]  }
0x30: {  	s3 =	sld [smem:$0x3FA9]  }
0x31: {  	[smem:$0x3FB2] =	sst s10  }
0x32: {  	s10 =	sld [smem:$0x3FB0];
	_ =	sdelay $0x3  }
0x33: {  	p0 =	seq.s32 s10, $0x1;
	s10 =	sld [smem:$0x3FB2];
	_ =	sdelay $0x3  }
0x34: {  	[smem:$0x3FB2] =	sst s10  }
0x35: {  	s10 =	sld [smem:$0x3FB1];
	_ =	sdelay $0x3  }
0x36: {  	p1 =	seq.s32 s10, $0x1;
	s10 =	sld [smem:$0x3FB2];
	_ =	sdelay $0x3  }
0x37: {  	[smem:$0x3FB2] =	sst s10  }
0x38: {  	s10 =	sld [smem:$0x3FB3]  }
0x39: {  	_ = 	snop;
	(pc) =	sbr.ind lr, $3  }
0x3a: {  	_ = 	snop  }
0x3b: {  	_ = 	snop  }
0x3c: {  	p2 =	seq.s32 s10, $0x1;
	s10 =	sld [smem:$0x3FB2]  }
0x3d: {  	_ =	shalt  }
0x3e: {  	_ =	shalt  }
0x3f: {  	_ =	shalt  }
0x40: {  	_ =	shalt  }
0x41: {  	_ =	shalt  }
0x42: {  	_ =	shalt  }
0x43: {  	_ =	shalt  }
0x44: {  	_ =	shalt  }
0x45: {  	_ =	shalt  }
0x46: {  	_ =	shalt  }
0x47: {  	_ =	shalt  }
0x48: {  	_ =	shalt  }
0x49: {  	_ =	shalt  }
0x4a: {  	_ =	shalt  }
0x4b: {  	_ =	shalt  }
0x4c: {  	_ =	shalt  }
0x4d: {  	_ =	shalt  }
0x4e: {  	_ =	shalt  }
0x4f: {  	_ =	shalt  }
0x50: {  	_ =	shalt  }
0x51: {  	_ =	shalt  }
0x52: {  	_ =	shalt  }
0x53: {  	_ =	shalt  }
0x54: {  	_ =	shalt  }
0x55: {  	_ =	shalt  }
0x56: {  	_ =	shalt  }
0x57: {  	_ =	shalt  }
0x58: {  	_ =	shalt  }
0x59: {  	_ =	shalt  }
0x5a: {  	_ =	shalt  }
0x5b: {  	_ =	shalt  }
0x5c: {  	_ =	shalt  }
0x5d: {  	_ =	shalt  }
0x5e: {  	_ =	shalt  }
0x5f: {  	_ =	shalt  }
0x60: {  	_ =	shalt  }
0x61: {  	_ =	shalt  }
0x62: {  	_ =	shalt  }
0x63: {  	_ =	shalt  }
0x64: {  	_ =	shalt  }
0x65: {  	_ =	shalt  }
0x66: {  	_ =	shalt  }
0x67: {  	_ =	shalt  }
0x68: {  	_ =	shalt  }
0x69: {  	_ =	shalt  }
0x6a: {  	_ =	shalt  }
0x6b: {  	_ =	shalt  }
0x6c: {  	_ =	shalt  }
0x6d: {  	_ =	shalt  }
0x6e: {  	_ =	shalt  }
0x6f: {  	_ =	shalt  }
0x70: {  	_ =	shalt  }
0x71: {  	_ =	shalt  }
0x72: {  	_ =	shalt  }
0x73: {  	_ =	shalt  }
0x74: {  	_ =	shalt  }
0x75: {  	_ =	shalt  }
0x76: {  	_ =	shalt  }
0x77: {  	_ =	shalt  }
0x78: {  	_ =	shalt  }
0x79: {  	_ =	shalt  }
0x7a: {  	_ =	shalt  }
0x7b: {  	_ =	shalt  }
0x7c: {  	_ =	shalt  }
0x7d: {  	_ =	shalt  }
0x7e: {  	_ =	shalt  }
0x7f: {  	_ =	shalt  }
0x80: {  	_ =	shalt  }
0x81: {  	_ =	shalt  }
0x82: {  	_ =	shalt  }
0x83: {  	_ =	shalt  }
0x84: {  	_ =	shalt  }
0x85: {  	_ =	shalt  }
0x86: {  	_ =	shalt  }
0x87: {  	_ =	shalt  }
.Lfunc_end0:
.L_simem_size_0:
called_computation_lowered:
.L_overlay_start_0:
0x88: {  	s2 =	sld [smem:$0x3FD9]  }
0x89: {  	s3 =	sld [smem:$0x3FFE];
	_ =	sdelay $0x1  }
0x8a: {  	s1 =	srdreg.scid  }
0x8b: {  	s0 =	sand.u32 $0x1, s1  }
0x8c: {  	s14 =	sshll.u32 s0, $0xA;
	s2 =	sadd.s32 s3, s2  }
0x8d: {  	s2 =	sadd.s32 s2, s14  }
0x8e: {  	[smem:$0x3FBE] =	sst s2  }
0x8f: {  	_ = 	snop  }
0x90: {  	s2 =	sld [smem:$0x3FD0];
	_ =	sdelay $0x2  }
0x91: {  	s4 =	simm.s32 $0xA;
	s5 =	simm.s32 $0x10;
	s15 =	sld [smem:$0x3FC9]  }
0x92: {  	[smem:s5], [sflag:s4] =	dma.local [hbm:s2], $0x1  }
0x93: {  	_ =	swait.eq [sflag:s4], $0x1  }
0x94: {  	[sflag:s4] =	ssyncset.done $0x0  }
0x95: {  	[sflag:s4] =	ssyncadd.s32 $0xFFFFFFFF  }
0x96: {  	s16 =	sld [smem:$0x11];
	(tm) =	ssettm $0x1  }
0x97: {  	s17 =	sld [smem:$0x3FFB];
	_ =	sdelay $0x3  }
0x98: {  	_ =	strace s17  }
0x99: {  	s4 =	sld [smem:$0x3FFC];
	_ =	sdelay $0x3  }
0x9a: {  	_ =	strace s4  }
0x9b: {  	s4 =	sld [smem:$0x3FFD];
	_ =	sdelay $0x3  }
0x9c: {  	_ =	strace s4  }
0x9d: {  	_ =	strace $0x8FFFFFFF  }
0x9e: {  	s18 =	sld [smem:$0x3FDB];
	_ =	sdelay $0x1  }
0x9f: {  	s19 =	simm.s32 $_scs_section_size  }
0xa0: {  	s6 =	simm.s32 $_size__tile_overlayer_lowered;
	s7 =	simm.s32 $_tile_overlayer_lowered  }
0xa1: {  	s22 =	simm.s32 $0x1BFF;
	s21 =	sshll.u32 s7, $0x1;
	s4 =	sadd.s32 s19, s18  }
0xa2: {  	s8 =	simm.s32 $0x0;
	s20 =	sshll.u32 s6, $0x1;
	s6 =	sadd.s32 s21, s4  }
0xa3: {  	[timem:s8], [sflag:s22] =	dma.local [hbm:s6], s20  }
0xa4: {  	_ =	swait.ge [sflag:s22], s20  }
0xa5: {  	s5 =	ssub.s32 $0x0, s20;
	[sflag:s22] =	ssyncset.done $0x0  }
0xa6: {  	[sflag:s22] =	ssyncadd.s32 s5;
	_ =	sdelay $0x1  }
0xa7: {  	s23 =	simm.s32 $0x1B8B  }
0xa8: {  	_ =	swait.ge [sflag:s23], $0x1  }
0xa9: {  	[sflag:s23] =	ssyncset.done $0x0  }
0xaa: {  	s25 =	simm.s32 $0x1B8E;
	s24 =	sld [smem:$0x3FFE];
	[sflag:s23] =	ssyncadd.s32 $0xFFFFFFFF  }
0xab: {  	s26 =	simm.s32 $execute0_lowered;
	[smem:$0x3FD2] =	sst s25  }
0xac: {  	s6 =	sshll.u32 s26, $0x1;
	_ =	strace $0x80000046;
	[dreg:$0x1] =	wrdreg $0xFFFFFFFF  }
0xad: {  	s28 =	simm.s32 $_size_execute0_lowered;
	s4 =	sadd.s32 s4, s6;
	[dreg:$0x0] =	wrdreg $0x0  }
0xae: {  	s6 =	sshll.u32 s28, $0x1;
	[dreg:$0x2] =	wrdreg s4  }
0xaf: {  	[dreg:$0x3] =	wrdreg s6  }
0xb0: {  	[dreg:$0x4] =	wrdreg $0xC0  }
0xb1: {  	_ =	task [dreg:s8], $0x5FFFF  }
0xb2: {  	[dreg:$0x1] =	wrdreg $0xFFFFFFFF  }
0xb3: {  	[dreg:$0x0] =	wrdreg $0x60  }
0xb4: {  	[dreg:$0x2] =	wrdreg s15  }
0xb5: {  	[dreg:$0x3] =	wrdreg s16  }
0xb6: {  	[dreg:$0x4] =	wrdreg s24  }
0xb7: {  	[dreg:$0x5] =	wrdreg $0x9  }
0xb8: {  	_ =	task.clear_ibuf [dreg:s8], $0x6FFFF;
	_ =	strace $0x90000046  }
0xb9: {  	s29 =	simm.s32 $0x9;
	_ =	strace $0x80000048  }
0xba: {  	_ =	swait.ge [sflag:s29], $0x1  }
0xbb: {  	[sflag:s29] =	ssyncadd.s32 $0xFFFFFFFF  }
0xbc: {  	_ =	strace $0x90000048  }
0xbd: {  	_ =	sfence  }
0xbe: {  	s30 =	sld [smem:$0x0];
	_ =	sdelay $0x2  }
0xbf: {  	s31 =	sshll.u32 s1, $0xD;
	s1 =	sshrl.u32 s1, $0x2  }
0xc0: {  	s3 =	sand.u32 $0x4000, s31;
	s1 =	sadd.s32 s1, s30  }
0xc1: {  	s0 =	sor.u32 s3, s0;
	s1 =	sshll.u32 s1, $0x11  }
0xc2: {  	s0 =	sor.u32 s1, s0  }
0xc3: {  	s0 =	sadd.s32 $0x8F2B, s0  }
0xc4: {  	[sflag:s0] =	ssyncadd.remote.s32 $0x1  }
0xc5: {  	_ =	sfence.sel $0xFFFF  }
0xc6: {  	[dreg:$0x0] =	wrdreg $0xFFFFFFFF;
	(pc) =	sbr.abs _section_cstart, $3  }
0xc7: {  	[dreg:$0x1] =	wrdreg $0xFFFFFFFF  }
0xc8: {  	_ =	task.clear_ibuf [dreg:s8], $0x2FFFF;
	_ =	strace $0x9FFFFFFF  }
0xc9: {  	(tm) =	ssettm $0x7FFFFFFF  }
tec
execute0_lowered:
.L_overlay_start_1:
0x0: {  	(tag) =	ssettag $0x1  }
0x1: {  	s1 =	rddreg [dreg:$0x0];
	s0 =	srdreg.scid  }
0x2: {  	s3 =	stileid.u32;
	s2 =	rddreg [dreg:$0x1]  }
0x3: {  	s4 =	rddreg [dreg:$0x2];
	s28 =	simm.s32 $0x5900;
	s29 =	simm.s32 $0x6100  }
0x4: {  	s30 =	simm.s32 $0x6900;
	s0 =	sand.u32 $0x1, s0;
	s3 =	sshll.u32 s3, $0x1  }
0x5: {  	s31 =	simm.s32 $0x7100;
	s4 =	sadd.s32 $0x1800, s4;
	s5 =	sor.u32 s0, s3  }
0x6: {  	s3 =	simm.s32 $0x0;
	s0 =	ssub.s32 $0x2, s0;
	s6 =	smul.u32 $0x300, s5  }
0x7: {  	[smem:$0x7FF] =	sst s3;
	s5 =	smul.u32 $0x6000, s5;
	s19 =	sshrl.u32 s0, $0x1  }
0x8: {  	_ =	strace $0x80000047;
	s0 =	ssub.s32 s0, s19;
	s19 =	simm.s32 $0x2100  }
0x9: {  	s7 =	sshrl.u32 s6, $0x3;
	s8 =	sor.u32 $0x80, s6;
	s5 =	sadd.s32 s4, s5  }
0xa: {  	s11 =	sadd.s32 $0x100, s6;
	s13 =	sadd.s32 $0x180, s6;
	s18 =	sadd.s32 $0x200, s6  }
0xb: {  	s6 =	sadd.s32 $0x280, s6;
	s7 =	sadd.s32 s2, s7;
	s9 =	sshrl.u32 s8, $0x3  }
0xc: {  	[dreg:$0x6] =	wrdreg s5;
	s12 =	sshrl.u32 s11, $0x3;
	s8 =	sshll.u32 s8, $0x5  }
0xd: {  	s15 =	sshrl.u32 s13, $0x3;
	s20 =	sshrl.u32 s18, $0x3;
	s22 =	sshrl.u32 s6, $0x3  }
0xe: {  	s23 =	sshll.u32 s18, $0x5;
	s25 =	sshll.u32 s6, $0x5;
	s18 =	simm.s32 $0x1900  }
0xf: {  	[dreg:$0x4] =	wrdreg s7;
	s10 =	sadd.s32 s2, s9;
	s5 =	sadd.s32 s2, s12  }
0x10: {  	s14 =	sadd.s32 s4, s8;
	s16 =	sadd.s32 s2, s15;
	s7 =	sshll.u32 s11, $0x5  }
0x11: {  	s9 =	sshll.u32 s13, $0x5;
	s24 =	sadd.s32 s4, s23;
	s26 =	sadd.s32 s4, s25  }
0x12: {  	s13 =	simm.s32 $0x1;
	s23 =	simm.s32 $0x100;
	[dreg:$0x5] =	wrdreg s10  }
0x13: {  	s25 =	simm.s32 $0x4900;
	s8 =	simm.s32 $0x9100;
	[dreg:$0x7] =	wrdreg s5  }
0x14: {  	s11 =	simm.s32 $0xA900;
	s12 =	simm.s32 $0xB100;
	[dreg:$0x8] =	wrdreg s14  }
0x15: {  	[dreg:$0x9] =	wrdreg s16;
	s17 =	sadd.s32 s4, s7;
	s5 =	sadd.s32 s2, s20  }
0x16: {  	s21 =	sadd.s32 s4, s9;
	s2 =	sadd.s32 s2, s22;
	[dreg:$0xe] =	wrdreg s24  }
0x17: {  	[dreg:$0xf] =	wrdreg s26;
	s4 =	smax.u32 s0, $0x1;
	s14 =	simm.s32 $0x2  }
0x18: {  	s16 =	simm.s32 $0x900;
	s20 =	simm.s32 $0x2900;
	[dreg:$0xa] =	wrdreg s17  }
0x19: {  	s22 =	simm.s32 $0x3900;
	s24 =	simm.s32 $0x4100;
	[dreg:$0xb] =	wrdreg s5  }
0x1a: {  	v2 =	vlaneseq.u32;
	s26 =	simm.s32 $0x5100;
	s7 =	simm.s32 $0x8900;
	[dreg:$0xc] =	wrdreg s21  }
0x1b: {  	vm0 =	vmmov $0xffff;
	v1 =	vshrl.u32 v2, $0x3;
	s9 =	simm.s32 $0x9900;
	s10 =	simm.s32 $0xA100;
	[dreg:$0xd] =	wrdreg s2  }
0x1c: {  	v0 =	vand.u32 $0x7, v2;
	v2 =	vor.u32 $0x8, v2;
	v1 =	vmul.u32 $0x8, v1;
	s5 =	simm.s32 $0x3;
	s17 =	simm.s32 $0x1100;
	s21 =	simm.s32 $0x3100  }
.LBB2_1:
0x1d: {  	s15 =	rddreg [dreg:$0x4]  }
0x1e: {  	[tilespmem:s3], [sflag:$0x3] =	stream.linear.gather [hbm4b:s15+s3], $0x80, $0x38;
	[tilespmem:$0x10100] =	vst v63  }
0x1f: {  	_ =	swait.ge [sflag:s5], $0x80  }
0x20: {  	[sflag:s5] =	ssyncset.done $0x0  }
0x21: {  	[sflag:s5] =	ssyncadd.s32 $0xFFFFFF80  }
0x22: {  	v3 =	vld [tilespmem:$0x0];
	_ =	sdelay $0x4  }
0x23: {  	v4 =	vshll.u32 v3, $0x1  }
0x24: {  	v3 =	vand.u32 $0x7, v3;
	v4 =	vand.u32 $0xFFFFFFF0, v4  }
0x25: {  	v3 =	vor.u32 v3, v4  }
0x26: {  	v4 =	vperm.xlane v3, v0;
	_ =	sdelay $0x1  }
0x27: {  	v3 =	vperm.xlane v3, v2;
	v4 =	vadd.s32 v1, v4;
	_ =	sdelay $0x1  }
0x28: {  	v3 =	vadd.s32 v1, v3;
	_ =	sdelay $0x2  }
0x29: {  	[tilespmem:s23], [sflag:$0x1] =	stream.indirect_vreg.gather [hbm4b:s1+s3], $0x80, v4, vm0, $0xb8;
	[tilespmem:$0x10100] =	vst v63  }
0x2a: {  	_ = 	snop  }
0x2b: {  	[tilespmem:s16], [sflag:$0x1] =	stream.indirect_vreg.gather [hbm4b:s1+s3], $0x80, v3, vm0, $0xb8;
	[tilespmem:$0x10100] =	vst v63  }
0x2c: {  	v3 =	vld [tilespmem:$0x10];
	_ =	sdelay $0x4  }
0x2d: {  	v17 =	vshll.u32 v3, $0x1  }
0x2e: {  	v3 =	vand.u32 $0x7, v3;
	v4 =	vand.u32 $0xFFFFFFF0, v17  }
0x2f: {  	v3 =	vor.u32 v3, v4  }
0x30: {  	v4 =	vperm.xlane v3, v0;
	_ =	sdelay $0x1  }
0x31: {  	v3 =	vperm.xlane v3, v2;
	v4 =	vadd.s32 v1, v4;
	_ =	sdelay $0x1  }
0x32: {  	v3 =	vadd.s32 v1, v3;
	_ =	sdelay $0x2  }
0x33: {  	[tilespmem:s17], [sflag:$0x1] =	stream.indirect_vreg.gather [hbm4b:s1+s3], $0x80, v4, vm0, $0xb8;
	[tilespmem:$0x10100] =	vst v63  }
0x34: {  	_ = 	snop  }
0x35: {  	[tilespmem:s18], [sflag:$0x1] =	stream.indirect_vreg.gather [hbm4b:s1+s3], $0x80, v3, vm0, $0xb8;
	[tilespmem:$0x10100] =	vst v63  }
0x36: {  	v3 =	vld [tilespmem:$0x20];
	_ =	sdelay $0x4  }
0x37: {  	v18 =	vshll.u32 v3, $0x1  }
0x38: {  	v3 =	vand.u32 $0x7, v3;
	v4 =	vand.u32 $0xFFFFFFF0, v18  }
0x39: {  	v3 =	vor.u32 v3, v4  }
0x3a: {  	v4 =	vperm.xlane v3, v0;
	_ =	sdelay $0x1  }
0x3b: {  	v3 =	vperm.xlane v3, v2;
	v4 =	vadd.s32 v1, v4;
	_ =	sdelay $0x1  }
0x3c: {  	v3 =	vadd.s32 v1, v3;
	_ =	sdelay $0x2  }
0x3d: {  	[tilespmem:s19], [sflag:$0x1] =	stream.indirect_vreg.gather [hbm4b:s1+s3], $0x80, v4, vm0, $0xb8;
	[tilespmem:$0x10100] =	vst v63  }
0x3e: {  	_ = 	snop  }
0x3f: {  	[tilespmem:s20], [sflag:$0x1] =	stream.indirect_vreg.gather [hbm4b:s1+s3], $0x80, v3, vm0, $0xb8;
	[tilespmem:$0x10100] =	vst v63  }
0x40: {  	v3 =	vld [tilespmem:$0x30];
	_ =	sdelay $0x4  }
0x41: {  	v19 =	vshll.u32 v3, $0x1  }
0x42: {  	v3 =	vand.u32 $0x7, v3;
	v4 =	vand.u32 $0xFFFFFFF0, v19  }
0x43: {  	v3 =	vor.u32 v3, v4  }
0x44: {  	v4 =	vperm.xlane v3, v0;
	_ =	sdelay $0x1  }
0x45: {  	v3 =	vperm.xlane v3, v2;
	v4 =	vadd.s32 v1, v4;
	_ =	sdelay $0x1  }
0x46: {  	v3 =	vadd.s32 v1, v3;
	_ =	sdelay $0x2  }
0x47: {  	[tilespmem:s21], [sflag:$0x1] =	stream.indirect_vreg.gather [hbm4b:s1+s3], $0x80, v4, vm0, $0xb8;
	[tilespmem:$0x10100] =	vst v63  }
0x48: {  	_ = 	snop  }
0x49: {  	[tilespmem:s22], [sflag:$0x1] =	stream.indirect_vreg.gather [hbm4b:s1+s3], $0x80, v3, vm0, $0xb8;
	[tilespmem:$0x10100] =	vst v63  }
0x4a: {  	v3 =	vld [tilespmem:$0x40];
	_ =	sdelay $0x4  }
0x4b: {  	v20 =	vshll.u32 v3, $0x1  }
0x4c: {  	v3 =	vand.u32 $0x7, v3;
	v4 =	vand.u32 $0xFFFFFFF0, v20  }
0x4d: {  	v3 =	vor.u32 v3, v4  }
0x4e: {  	v4 =	vperm.xlane v3, v0;
	_ =	sdelay $0x1  }
0x4f: {  	v3 =	vperm.xlane v3, v2;
	v4 =	vadd.s32 v1, v4;
	_ =	sdelay $0x1  }
0x50: {  	v3 =	vadd.s32 v1, v3;
	_ =	sdelay $0x2  }
0x51: {  	[tilespmem:s24], [sflag:$0x1] =	stream.indirect_vreg.gather [hbm4b:s1+s3], $0x80, v4, vm0, $0xb8;
	[tilespmem:$0x10100] =	vst v63  }
0x52: {  	_ = 	snop  }
0x53: {  	[tilespmem:s25], [sflag:$0x1] =	stream.indirect_vreg.gather [hbm4b:s1+s3], $0x80, v3, vm0, $0xb8;
	[tilespmem:$0x10100] =	vst v63  }
0x54: {  	v3 =	vld [tilespmem:$0x50];
	_ =	sdelay $0x4  }
0x55: {  	v21 =	vshll.u32 v3, $0x1  }
0x56: {  	v3 =	vand.u32 $0x7, v3;
	v4 =	vand.u32 $0xFFFFFFF0, v21  }
0x57: {  	v3 =	vor.u32 v3, v4  }
0x58: {  	v4 =	vperm.xlane v3, v0;
	_ =	sdelay $0x1  }
0x59: {  	v3 =	vperm.xlane v3, v2;
	v4 =	vadd.s32 v1, v4;
	_ =	sdelay $0x1  }
0x5a: {  	v3 =	vadd.s32 v1, v3;
	_ =	sdelay $0x2  }
0x5b: {  	[tilespmem:s26], [sflag:$0x1] =	stream.indirect_vreg.gather [hbm4b:s1+s3], $0x80, v4, vm0, $0xb8;
	[tilespmem:$0x10100] =	vst v63  }
0x5c: {  	_ = 	snop  }
0x5d: {  	[tilespmem:s28], [sflag:$0x1] =	stream.indirect_vreg.gather [hbm4b:s1+s3], $0x80, v3, vm0, $0xb8;
	[tilespmem:$0x10100] =	vst v63  }
0x5e: {  	v3 =	vld [tilespmem:$0x60];
	_ =	sdelay $0x4  }
0x5f: {  	v22 =	vshll.u32 v3, $0x1  }
0x60: {  	v3 =	vand.u32 $0x7, v3;
	v4 =	vand.u32 $0xFFFFFFF0, v22  }
0x61: {  	v3 =	vor.u32 v3, v4  }
0x62: {  	v4 =	vperm.xlane v3, v0;
	_ =	sdelay $0x1  }
0x63: {  	v3 =	vperm.xlane v3, v2;
	v4 =	vadd.s32 v1, v4;
	_ =	sdelay $0x1  }
0x64: {  	v3 =	vadd.s32 v1, v3;
	_ =	sdelay $0x2  }
0x65: {  	[tilespmem:s29], [sflag:$0x1] =	stream.indirect_vreg.gather [hbm4b:s1+s3], $0x80, v4, vm0, $0xb8;
	[tilespmem:$0x10100] =	vst v63  }
0x66: {  	_ = 	snop  }
0x67: {  	[tilespmem:s30], [sflag:$0x1] =	stream.indirect_vreg.gather [hbm4b:s1+s3], $0x80, v3, vm0, $0xb8;
	[tilespmem:$0x10100] =	vst v63  }
0x68: {  	v3 =	vld [tilespmem:$0x70];
	_ =	sdelay $0x4  }
0x69: {  	v23 =	vshll.u32 v3, $0x1  }
0x6a: {  	v3 =	vand.u32 $0x7, v3;
	v4 =	vand.u32 $0xFFFFFFF0, v23  }
0x6b: {  	v3 =	vor.u32 v3, v4  }
0x6c: {  	v4 =	vperm.xlane v3, v0;
	_ =	sdelay $0x1  }
0x6d: {  	v3 =	vperm.xlane v3, v2;
	v4 =	vadd.s32 v1, v4;
	_ =	sdelay $0x1  }
0x6e: {  	v3 =	vadd.s32 v1, v3;
	_ =	sdelay $0x2  }
0x6f: {  	[tilespmem:s31], [sflag:$0x1] =	stream.indirect_vreg.gather [hbm4b:s1+s3], $0x80, v4, vm0, $0xb8;
	[tilespmem:$0x10100] =	vst v63  }
0x70: {  	s2 =	simm.s32 $0x7900  }
0x71: {  	[tilespmem:s2], [sflag:$0x1] =	stream.indirect_vreg.gather [hbm4b:s1+s3], $0x80, v3, vm0, $0xb8;
	[tilespmem:$0x10100] =	vst v63  }
0x72: {  	s0 =	simm.s32 $0x80;
	s6 =	rddreg [dreg:$0x5]  }
0x73: {  	[tilespmem:s0], [sflag:$0x3] =	stream.linear.gather [hbm4b:s6+s3], $0x80, $0x38;
	[tilespmem:$0x10100] =	vst v63  }
0x74: {  	_ =	swait.ge [sflag:s5], $0x80  }
0x75: {  	[sflag:s5] =	ssyncset.done $0x0  }
0x76: {  	[sflag:s5] =	ssyncadd.s32 $0xFFFFFF80  }
0x77: {  	v3 =	vld [tilespmem:$0x80];
	_ =	sdelay $0x4  }
0x78: {  	v24 =	vshll.u32 v3, $0x1  }
0x79: {  	v3 =	vand.u32 $0x7, v3;
	v4 =	vand.u32 $0xFFFFFFF0, v24  }
0x7a: {  	v3 =	vor.u32 v3, v4  }
0x7b: {  	v4 =	vperm.xlane v3, v0;
	_ =	sdelay $0x1  }
0x7c: {  	v3 =	vperm.xlane v3, v2;
	v4 =	vadd.s32 v1, v4;
	_ =	sdelay $0x1  }
0x7d: {  	v3 =	vadd.s32 v1, v3;
	_ =	sdelay $0x1  }
0x7e: {  	s0 =	simm.s32 $0x8100  }
0x7f: {  	[tilespmem:s0], [sflag:$0x2] =	stream.indirect_vreg.gather [hbm4b:s1+s3], $0x80, v4, vm0, $0xb8;
	[tilespmem:$0x10100] =	vst v63  }
0x80: {  	_ = 	snop  }
0x81: {  	[tilespmem:s7], [sflag:$0x2] =	stream.indirect_vreg.gather [hbm4b:s1+s3], $0x80, v3, vm0, $0xb8;
	[tilespmem:$0x10100] =	vst v63  }
0x82: {  	v3 =	vld [tilespmem:$0x90];
	_ =	sdelay $0x4  }
0x83: {  	v25 =	vshll.u32 v3, $0x1  }
0x84: {  	v3 =	vand.u32 $0x7, v3;
	v4 =	vand.u32 $0xFFFFFFF0, v25  }
0x85: {  	v3 =	vor.u32 v3, v4  }
0x86: {  	v4 =	vperm.xlane v3, v0;
	_ =	sdelay $0x1  }
0x87: {  	v3 =	vperm.xlane v3, v2;
	v4 =	vadd.s32 v1, v4;
	_ =	sdelay $0x1  }
0x88: {  	v3 =	vadd.s32 v1, v3;
	_ =	sdelay $0x2  }
0x89: {  	[tilespmem:s8], [sflag:$0x2] =	stream.indirect_vreg.gather [hbm4b:s1+s3], $0x80, v4, vm0, $0xb8;
	[tilespmem:$0x10100] =	vst v63  }
0x8a: {  	_ = 	snop  }
0x8b: {  	[tilespmem:s9], [sflag:$0x2] =	stream.indirect_vreg.gather [hbm4b:s1+s3], $0x80, v3, vm0, $0xb8;
	[tilespmem:$0x10100] =	vst v63  }
0x8c: {  	v3 =	vld [tilespmem:$0xA0];
	_ =	sdelay $0x4  }
0x8d: {  	v26 =	vshll.u32 v3, $0x1  }
0x8e: {  	v3 =	vand.u32 $0x7, v3;
	v4 =	vand.u32 $0xFFFFFFF0, v26  }
0x8f: {  	v3 =	vor.u32 v3, v4  }
0x90: {  	v4 =	vperm.xlane v3, v0;
	_ =	sdelay $0x1  }
0x91: {  	v3 =	vperm.xlane v3, v2;
	v4 =	vadd.s32 v1, v4;
	_ =	sdelay $0x1  }
0x92: {  	v3 =	vadd.s32 v1, v3;
	_ =	sdelay $0x2  }
0x93: {  	[tilespmem:s10], [sflag:$0x2] =	stream.indirect_vreg.gather [hbm4b:s1+s3], $0x80, v4, vm0, $0xb8;
	[tilespmem:$0x10100] =	vst v63  }
0x94: {  	_ = 	snop  }
0x95: {  	[tilespmem:s11], [sflag:$0x2] =	stream.indirect_vreg.gather [hbm4b:s1+s3], $0x80, v3, vm0, $0xb8;
	[tilespmem:$0x10100] =	vst v63  }
0x96: {  	v3 =	vld [tilespmem:$0xB0];
	_ =	sdelay $0x4  }
0x97: {  	v27 =	vshll.u32 v3, $0x1  }
0x98: {  	v3 =	vand.u32 $0x7, v3;
	v4 =	vand.u32 $0xFFFFFFF0, v27  }
0x99: {  	v3 =	vor.u32 v3, v4  }
0x9a: {  	v4 =	vperm.xlane v3, v0;
	_ =	sdelay $0x1  }
0x9b: {  	v3 =	vperm.xlane v3, v2;
	v4 =	vadd.s32 v1, v4;
	_ =	sdelay $0x1  }
0x9c: {  	v3 =	vadd.s32 v1, v3;
	_ =	sdelay $0x2  }
0x9d: {  	[tilespmem:s12], [sflag:$0x2] =	stream.indirect_vreg.gather [hbm4b:s1+s3], $0x80, v4, vm0, $0xb8;
	[tilespmem:$0x10100] =	vst v63  }
0x9e: {  	s6 =	simm.s32 $0xB900  }
0x9f: {  	[tilespmem:s6], [sflag:$0x2] =	stream.indirect_vreg.gather [hbm4b:s1+s3], $0x80, v3, vm0, $0xb8;
	[tilespmem:$0x10100] =	vst v63  }
0xa0: {  	v3 =	vld [tilespmem:$0xC0];
	_ =	sdelay $0x4  }
0xa1: {  	v28 =	vshll.u32 v3, $0x1  }
0xa2: {  	v3 =	vand.u32 $0x7, v3;
	v4 =	vand.u32 $0xFFFFFFF0, v28  }
0xa3: {  	v3 =	vor.u32 v3, v4  }
0xa4: {  	v4 =	vperm.xlane v3, v0;
	_ =	sdelay $0x1  }
0xa5: {  	v3 =	vperm.xlane v3, v2;
	v4 =	vadd.s32 v1, v4;
	_ =	sdelay $0x1  }
0xa6: {  	v3 =	vadd.s32 v1, v3;
	_ =	sdelay $0x1  }
0xa7: {  	s6 =	simm.s32 $0xC100  }
0xa8: {  	[tilespmem:s6], [sflag:$0x2] =	stream.indirect_vreg.gather [hbm4b:s1+s3], $0x80, v4, vm0, $0xb8;
	[tilespmem:$0x10100] =	vst v63  }
0xa9: {  	s6 =	simm.s32 $0xC900  }
0xaa: {  	[tilespmem:s6], [sflag:$0x2] =	stream.indirect_vreg.gather [hbm4b:s1+s3], $0x80, v3, vm0, $0xb8;
	[tilespmem:$0x10100] =	vst v63  }
0xab: {  	v3 =	vld [tilespmem:$0xD0];
	_ =	sdelay $0x4  }
0xac: {  	v29 =	vshll.u32 v3, $0x1  }
0xad: {  	v3 =	vand.u32 $0x7, v3;
	v4 =	vand.u32 $0xFFFFFFF0, v29  }
0xae: {  	v3 =	vor.u32 v3, v4  }
0xaf: {  	v4 =	vperm.xlane v3, v0;
	_ =	sdelay $0x1  }
0xb0: {  	v3 =	vperm.xlane v3, v2;
	v4 =	vadd.s32 v1, v4;
	_ =	sdelay $0x1  }
0xb1: {  	v3 =	vadd.s32 v1, v3;
	_ =	sdelay $0x1  }
0xb2: {  	s6 =	simm.s32 $0xD100  }
0xb3: {  	[tilespmem:s6], [sflag:$0x2] =	stream.indirect_vreg.gather [hbm4b:s1+s3], $0x80, v4, vm0, $0xb8;
	[tilespmem:$0x10100] =	vst v63  }
0xb4: {  	s6 =	simm.s32 $0xD900  }
0xb5: {  	[tilespmem:s6], [sflag:$0x2] =	stream.indirect_vreg.gather [hbm4b:s1+s3], $0x80, v3, vm0, $0xb8;
	[tilespmem:$0x10100] =	vst v63  }
0xb6: {  	v3 =	vld [tilespmem:$0xE0];
	_ =	sdelay $0x4  }
0xb7: {  	v30 =	vshll.u32 v3, $0x1  }
0xb8: {  	v3 =	vand.u32 $0x7, v3;
	v4 =	vand.u32 $0xFFFFFFF0, v30  }
0xb9: {  	v3 =	vor.u32 v3, v4  }
0xba: {  	v4 =	vperm.xlane v3, v0;
	_ =	sdelay $0x1  }
0xbb: {  	v3 =	vperm.xlane v3, v2;
	v4 =	vadd.s32 v1, v4;
	_ =	sdelay $0x1  }
0xbc: {  	v3 =	vadd.s32 v1, v3;
	_ =	sdelay $0x1  }
0xbd: {  	s6 =	simm.s32 $0xE100  }
0xbe: {  	[tilespmem:s6], [sflag:$0x2] =	stream.indirect_vreg.gather [hbm4b:s1+s3], $0x80, v4, vm0, $0xb8;
	[tilespmem:$0x10100] =	vst v63  }
0xbf: {  	s6 =	simm.s32 $0xE900  }
0xc0: {  	[tilespmem:s6], [sflag:$0x2] =	stream.indirect_vreg.gather [hbm4b:s1+s3], $0x80, v3, vm0, $0xb8;
	[tilespmem:$0x10100] =	vst v63  }
0xc1: {  	v3 =	vld [tilespmem:$0xF0];
	_ =	sdelay $0x4  }
0xc2: {  	v31 =	vshll.u32 v3, $0x1  }
0xc3: {  	v3 =	vand.u32 $0x7, v3;
	v4 =	vand.u32 $0xFFFFFFF0, v31  }
0xc4: {  	v3 =	vor.u32 v3, v4  }
0xc5: {  	v4 =	vperm.xlane v3, v0;
	_ =	sdelay $0x1  }
0xc6: {  	v3 =	vperm.xlane v3, v2;
	v4 =	vadd.s32 v1, v4;
	_ =	sdelay $0x1  }
0xc7: {  	v3 =	vadd.s32 v1, v3;
	_ =	sdelay $0x1  }
0xc8: {  	s6 =	simm.s32 $0xF100  }
0xc9: {  	[tilespmem:s6], [sflag:$0x2] =	stream.indirect_vreg.gather [hbm4b:s1+s3], $0x80, v4, vm0, $0xb8;
	[tilespmem:$0x10100] =	vst v63  }
0xca: {  	s6 =	simm.s32 $0xF900  }
0xcb: {  	[tilespmem:s6], [sflag:$0x2] =	stream.indirect_vreg.gather [hbm4b:s1+s3], $0x80, v3, vm0, $0xb8;
	[tilespmem:$0x10100] =	vst v63  }
0xcc: {  	_ =	swait.ge [sflag:s13], $0x8000  }
0xcd: {  	[sflag:s13] =	ssyncset.done $0x0  }
0xce: {  	s6 =	rddreg [dreg:$0x6];
	[sflag:s13] =	ssyncadd.s32 $0xFFFF8000  }
0xcf: {  	[hbm4b:s6+s3] =	stream.linear.scatter [tilespmem:s23], [sflag:$0x3], $0x8000, $0x38;
	[tilespmem:$0x10100] =	vst v63  }
0xd0: {  	_ =	swait.ge [sflag:s5], $0x8000  }
0xd1: {  	[sflag:s5] =	ssyncset.done $0x0  }
0xd2: {  	s6 =	rddreg [dreg:$0x7];
	[sflag:s5] =	ssyncadd.s32 $0xFFFF8000  }
0xd3: {  	[tilespmem:s3], [sflag:$0x3] =	stream.linear.gather [hbm4b:s6+s3], $0x80, $0x38;
	[tilespmem:$0x10100] =	vst v63  }
0xd4: {  	_ =	swait.ge [sflag:s5], $0x80  }
0xd5: {  	[sflag:s5] =	ssyncset.done $0x0  }
0xd6: {  	[sflag:s5] =	ssyncadd.s32 $0xFFFFFF80  }
0xd7: {  	v3 =	vld [tilespmem:$0x0];
	_ =	sdelay $0x4  }
0xd8: {  	v32 =	vshll.u32 v3, $0x1  }
0xd9: {  	v3 =	vand.u32 $0x7, v3;
	v4 =	vand.u32 $0xFFFFFFF0, v32  }
0xda: {  	v3 =	vor.u32 v3, v4  }
0xdb: {  	v4 =	vperm.xlane v3, v0;
	_ =	sdelay $0x1  }
0xdc: {  	v3 =	vperm.xlane v3, v2;
	v4 =	vadd.s32 v1, v4;
	_ =	sdelay $0x1  }
0xdd: {  	v3 =	vadd.s32 v1, v3;
	_ =	sdelay $0x2  }
0xde: {  	[tilespmem:s23], [sflag:$0x1] =	stream.indirect_vreg.gather [hbm4b:s1+s3], $0x80, v4, vm0, $0xb8;
	[tilespmem:$0x10100] =	vst v63  }
0xdf: {  	_ = 	snop  }
0xe0: {  	[tilespmem:s16], [sflag:$0x1] =	stream.indirect_vreg.gather [hbm4b:s1+s3], $0x80, v3, vm0, $0xb8;
	[tilespmem:$0x10100] =	vst v63  }
0xe1: {  	v3 =	vld [tilespmem:$0x10];
	_ =	sdelay $0x4  }
0xe2: {  	v33 =	vshll.u32 v3, $0x1  }
0xe3: {  	v3 =	vand.u32 $0x7, v3;
	v4 =	vand.u32 $0xFFFFFFF0, v33  }
0xe4: {  	v3 =	vor.u32 v3, v4  }
0xe5: {  	v4 =	vperm.xlane v3, v0;
	_ =	sdelay $0x1  }
0xe6: {  	v3 =	vperm.xlane v3, v2;
	v4 =	vadd.s32 v1, v4;
	_ =	sdelay $0x1  }
0xe7: {  	v3 =	vadd.s32 v1, v3;
	_ =	sdelay $0x2  }
0xe8: {  	[tilespmem:s17], [sflag:$0x1] =	stream.indirect_vreg.gather [hbm4b:s1+s3], $0x80, v4, vm0, $0xb8;
	[tilespmem:$0x10100] =	vst v63  }
0xe9: {  	_ = 	snop  }
0xea: {  	[tilespmem:s18], [sflag:$0x1] =	stream.indirect_vreg.gather [hbm4b:s1+s3], $0x80, v3, vm0, $0xb8;
	[tilespmem:$0x10100] =	vst v63  }
0xeb: {  	v3 =	vld [tilespmem:$0x20];
	_ =	sdelay $0x4  }
0xec: {  	v34 =	vshll.u32 v3, $0x1  }
0xed: {  	v3 =	vand.u32 $0x7, v3;
	v4 =	vand.u32 $0xFFFFFFF0, v34  }
0xee: {  	v3 =	vor.u32 v3, v4  }
0xef: {  	v4 =	vperm.xlane v3, v0;
	_ =	sdelay $0x1  }
0xf0: {  	v3 =	vperm.xlane v3, v2;
	v4 =	vadd.s32 v1, v4;
	_ =	sdelay $0x1  }
0xf1: {  	v3 =	vadd.s32 v1, v3;
	_ =	sdelay $0x2  }
0xf2: {  	[tilespmem:s19], [sflag:$0x1] =	stream.indirect_vreg.gather [hbm4b:s1+s3], $0x80, v4, vm0, $0xb8;
	[tilespmem:$0x10100] =	vst v63  }
0xf3: {  	_ = 	snop  }
0xf4: {  	[tilespmem:s20], [sflag:$0x1] =	stream.indirect_vreg.gather [hbm4b:s1+s3], $0x80, v3, vm0, $0xb8;
	[tilespmem:$0x10100] =	vst v63  }
0xf5: {  	v3 =	vld [tilespmem:$0x30];
	_ =	sdelay $0x4  }
0xf6: {  	v35 =	vshll.u32 v3, $0x1  }
0xf7: {  	v3 =	vand.u32 $0x7, v3;
	v4 =	vand.u32 $0xFFFFFFF0, v35  }
0xf8: {  	v3 =	vor.u32 v3, v4  }
0xf9: {  	v4 =	vperm.xlane v3, v0;
	_ =	sdelay $0x1  }
0xfa: {  	v3 =	vperm.xlane v3, v2;
	v4 =	vadd.s32 v1, v4;
	_ =	sdelay $0x1  }
0xfb: {  	v3 =	vadd.s32 v1, v3;
	_ =	sdelay $0x2  }
0xfc: {  	[tilespmem:s21], [sflag:$0x1] =	stream.indirect_vreg.gather [hbm4b:s1+s3], $0x80, v4, vm0, $0xb8;
	[tilespmem:$0x10100] =	vst v63  }
0xfd: {  	_ = 	snop  }
0xfe: {  	[tilespmem:s22], [sflag:$0x1] =	stream.indirect_vreg.gather [hbm4b:s1+s3], $0x80, v3, vm0, $0xb8;
	[tilespmem:$0x10100] =	vst v63  }
0xff: {  	v3 =	vld [tilespmem:$0x40];
	_ =	sdelay $0x4  }
0x100: {  	v36 =	vshll.u32 v3, $0x1  }
0x101: {  	v3 =	vand.u32 $0x7, v3;
	v4 =	vand.u32 $0xFFFFFFF0, v36  }
0x102: {  	v3 =	vor.u32 v3, v4  }
0x103: {  	v4 =	vperm.xlane v3, v0;
	_ =	sdelay $0x1  }
0x104: {  	v3 =	vperm.xlane v3, v2;
	v4 =	vadd.s32 v1, v4;
	_ =	sdelay $0x1  }
0x105: {  	v3 =	vadd.s32 v1, v3;
	_ =	sdelay $0x2  }
0x106: {  	[tilespmem:s24], [sflag:$0x1] =	stream.indirect_vreg.gather [hbm4b:s1+s3], $0x80, v4, vm0, $0xb8;
	[tilespmem:$0x10100] =	vst v63  }
0x107: {  	_ = 	snop  }
0x108: {  	[tilespmem:s25], [sflag:$0x1] =	stream.indirect_vreg.gather [hbm4b:s1+s3], $0x80, v3, vm0, $0xb8;
	[tilespmem:$0x10100] =	vst v63  }
0x109: {  	v3 =	vld [tilespmem:$0x50];
	_ =	sdelay $0x4  }
0x10a: {  	v37 =	vshll.u32 v3, $0x1  }
0x10b: {  	v3 =	vand.u32 $0x7, v3;
	v4 =	vand.u32 $0xFFFFFFF0, v37  }
0x10c: {  	v3 =	vor.u32 v3, v4  }
0x10d: {  	v4 =	vperm.xlane v3, v0;
	_ =	sdelay $0x1  }
0x10e: {  	v3 =	vperm.xlane v3, v2;
	v4 =	vadd.s32 v1, v4;
	_ =	sdelay $0x1  }
0x10f: {  	v3 =	vadd.s32 v1, v3;
	_ =	sdelay $0x2  }
0x110: {  	[tilespmem:s26], [sflag:$0x1] =	stream.indirect_vreg.gather [hbm4b:s1+s3], $0x80, v4, vm0, $0xb8;
	[tilespmem:$0x10100] =	vst v63  }
0x111: {  	_ = 	snop  }
0x112: {  	[tilespmem:s28], [sflag:$0x1] =	stream.indirect_vreg.gather [hbm4b:s1+s3], $0x80, v3, vm0, $0xb8;
	[tilespmem:$0x10100] =	vst v63  }
0x113: {  	v3 =	vld [tilespmem:$0x60];
	_ =	sdelay $0x4  }
0x114: {  	v38 =	vshll.u32 v3, $0x1  }
0x115: {  	v3 =	vand.u32 $0x7, v3;
	v4 =	vand.u32 $0xFFFFFFF0, v38  }
0x116: {  	v3 =	vor.u32 v3, v4  }
0x117: {  	v4 =	vperm.xlane v3, v0;
	_ =	sdelay $0x1  }
0x118: {  	v3 =	vperm.xlane v3, v2;
	v4 =	vadd.s32 v1, v4;
	_ =	sdelay $0x1  }
0x119: {  	v3 =	vadd.s32 v1, v3;
	_ =	sdelay $0x2  }
0x11a: {  	[tilespmem:s29], [sflag:$0x1] =	stream.indirect_vreg.gather [hbm4b:s1+s3], $0x80, v4, vm0, $0xb8;
	[tilespmem:$0x10100] =	vst v63  }
0x11b: {  	_ = 	snop  }
0x11c: {  	[tilespmem:s30], [sflag:$0x1] =	stream.indirect_vreg.gather [hbm4b:s1+s3], $0x80, v3, vm0, $0xb8;
	[tilespmem:$0x10100] =	vst v63  }
0x11d: {  	v3 =	vld [tilespmem:$0x70];
	_ =	sdelay $0x4  }
0x11e: {  	v39 =	vshll.u32 v3, $0x1  }
0x11f: {  	v3 =	vand.u32 $0x7, v3;
	v4 =	vand.u32 $0xFFFFFFF0, v39  }
0x120: {  	v3 =	vor.u32 v3, v4  }
0x121: {  	v4 =	vperm.xlane v3, v0;
	_ =	sdelay $0x1  }
0x122: {  	v3 =	vperm.xlane v3, v2;
	v4 =	vadd.s32 v1, v4;
	_ =	sdelay $0x1  }
0x123: {  	v3 =	vadd.s32 v1, v3;
	_ =	sdelay $0x2  }
0x124: {  	[tilespmem:s31], [sflag:$0x1] =	stream.indirect_vreg.gather [hbm4b:s1+s3], $0x80, v4, vm0, $0xb8;
	[tilespmem:$0x10100] =	vst v63  }
0x125: {  	_ = 	snop  }
0x126: {  	[tilespmem:s2], [sflag:$0x1] =	stream.indirect_vreg.gather [hbm4b:s1+s3], $0x80, v3, vm0, $0xb8;
	[tilespmem:$0x10100] =	vst v63  }
0x127: {  	_ =	swait.ge [sflag:s14], $0x8000  }
0x128: {  	[sflag:s14] =	ssyncset.done $0x0  }
0x129: {  	s6 =	rddreg [dreg:$0x8];
	[sflag:s14] =	ssyncadd.s32 $0xFFFF8000  }
0x12a: {  	[hbm4b:s6+s3] =	stream.linear.scatter [tilespmem:s0], [sflag:$0x3], $0x8000, $0x38;
	[tilespmem:$0x10100] =	vst v63  }
0x12b: {  	_ =	swait.ge [sflag:s5], $0x8000  }
0x12c: {  	[sflag:s5] =	ssyncset.done $0x0  }
0x12d: {  	s6 =	simm.s32 $0x80;
	s15 =	rddreg [dreg:$0x9];
	[sflag:s5] =	ssyncadd.s32 $0xFFFF8000  }
0x12e: {  	[tilespmem:s6], [sflag:$0x3] =	stream.linear.gather [hbm4b:s15+s3], $0x80, $0x38;
	[tilespmem:$0x10100] =	vst v63  }
0x12f: {  	_ =	swait.ge [sflag:s5], $0x80  }
0x130: {  	[sflag:s5] =	ssyncset.done $0x0  }
0x131: {  	[sflag:s5] =	ssyncadd.s32 $0xFFFFFF80  }
0x132: {  	v3 =	vld [tilespmem:$0x80];
	_ =	sdelay $0x4  }
0x133: {  	v40 =	vshll.u32 v3, $0x1  }
0x134: {  	v3 =	vand.u32 $0x7, v3;
	v4 =	vand.u32 $0xFFFFFFF0, v40  }
0x135: {  	v3 =	vor.u32 v3, v4  }
0x136: {  	v4 =	vperm.xlane v3, v0;
	_ =	sdelay $0x1  }
0x137: {  	v3 =	vperm.xlane v3, v2;
	v4 =	vadd.s32 v1, v4;
	_ =	sdelay $0x1  }
0x138: {  	v3 =	vadd.s32 v1, v3;
	_ =	sdelay $0x2  }
0x139: {  	[tilespmem:s0], [sflag:$0x2] =	stream.indirect_vreg.gather [hbm4b:s1+s3], $0x80, v4, vm0, $0xb8;
	[tilespmem:$0x10100] =	vst v63  }
0x13a: {  	_ = 	snop  }
0x13b: {  	[tilespmem:s7], [sflag:$0x2] =	stream.indirect_vreg.gather [hbm4b:s1+s3], $0x80, v3, vm0, $0xb8;
	[tilespmem:$0x10100] =	vst v63  }
0x13c: {  	v3 =	vld [tilespmem:$0x90];
	_ =	sdelay $0x4  }
0x13d: {  	v41 =	vshll.u32 v3, $0x1  }
0x13e: {  	v3 =	vand.u32 $0x7, v3;
	v4 =	vand.u32 $0xFFFFFFF0, v41  }
0x13f: {  	v3 =	vor.u32 v3, v4  }
0x140: {  	v4 =	vperm.xlane v3, v0;
	_ =	sdelay $0x1  }
0x141: {  	v3 =	vperm.xlane v3, v2;
	v4 =	vadd.s32 v1, v4;
	_ =	sdelay $0x1  }
0x142: {  	v3 =	vadd.s32 v1, v3;
	_ =	sdelay $0x2  }
0x143: {  	[tilespmem:s8], [sflag:$0x2] =	stream.indirect_vreg.gather [hbm4b:s1+s3], $0x80, v4, vm0, $0xb8;
	[tilespmem:$0x10100] =	vst v63  }
0x144: {  	_ = 	snop  }
0x145: {  	[tilespmem:s9], [sflag:$0x2] =	stream.indirect_vreg.gather [hbm4b:s1+s3], $0x80, v3, vm0, $0xb8;
	[tilespmem:$0x10100] =	vst v63  }
0x146: {  	v3 =	vld [tilespmem:$0xA0];
	_ =	sdelay $0x4  }
0x147: {  	v42 =	vshll.u32 v3, $0x1  }
0x148: {  	v3 =	vand.u32 $0x7, v3;
	v4 =	vand.u32 $0xFFFFFFF0, v42  }
0x149: {  	v3 =	vor.u32 v3, v4  }
0x14a: {  	v4 =	vperm.xlane v3, v0;
	_ =	sdelay $0x1  }
0x14b: {  	v3 =	vperm.xlane v3, v2;
	v4 =	vadd.s32 v1, v4;
	_ =	sdelay $0x1  }
0x14c: {  	v3 =	vadd.s32 v1, v3;
	_ =	sdelay $0x2  }
0x14d: {  	[tilespmem:s10], [sflag:$0x2] =	stream.indirect_vreg.gather [hbm4b:s1+s3], $0x80, v4, vm0, $0xb8;
	[tilespmem:$0x10100] =	vst v63  }
0x14e: {  	_ = 	snop  }
0x14f: {  	[tilespmem:s11], [sflag:$0x2] =	stream.indirect_vreg.gather [hbm4b:s1+s3], $0x80, v3, vm0, $0xb8;
	[tilespmem:$0x10100] =	vst v63  }
0x150: {  	v3 =	vld [tilespmem:$0xB0];
	_ =	sdelay $0x4  }
0x151: {  	v43 =	vshll.u32 v3, $0x1  }
0x152: {  	v3 =	vand.u32 $0x7, v3;
	v4 =	vand.u32 $0xFFFFFFF0, v43  }
0x153: {  	v3 =	vor.u32 v3, v4  }
0x154: {  	v4 =	vperm.xlane v3, v0;
	_ =	sdelay $0x1  }
0x155: {  	v3 =	vperm.xlane v3, v2;
	v4 =	vadd.s32 v1, v4;
	_ =	sdelay $0x1  }
0x156: {  	v3 =	vadd.s32 v1, v3;
	_ =	sdelay $0x2  }
0x157: {  	[tilespmem:s12], [sflag:$0x2] =	stream.indirect_vreg.gather [hbm4b:s1+s3], $0x80, v4, vm0, $0xb8;
	[tilespmem:$0x10100] =	vst v63  }
0x158: {  	s15 =	simm.s32 $0xB900  }
0x159: {  	[tilespmem:s15], [sflag:$0x2] =	stream.indirect_vreg.gather [hbm4b:s1+s3], $0x80, v3, vm0, $0xb8;
	[tilespmem:$0x10100] =	vst v63  }
0x15a: {  	v3 =	vld [tilespmem:$0xC0];
	_ =	sdelay $0x4  }
0x15b: {  	v44 =	vshll.u32 v3, $0x1  }
0x15c: {  	v3 =	vand.u32 $0x7, v3;
	v4 =	vand.u32 $0xFFFFFFF0, v44  }
0x15d: {  	v3 =	vor.u32 v3, v4  }
0x15e: {  	v4 =	vperm.xlane v3, v0;
	_ =	sdelay $0x1  }
0x15f: {  	v3 =	vperm.xlane v3, v2;
	v4 =	vadd.s32 v1, v4;
	_ =	sdelay $0x1  }
0x160: {  	v3 =	vadd.s32 v1, v3;
	_ =	sdelay $0x1  }
0x161: {  	s6 =	simm.s32 $0xC100  }
0x162: {  	[tilespmem:s6], [sflag:$0x2] =	stream.indirect_vreg.gather [hbm4b:s1+s3], $0x80, v4, vm0, $0xb8;
	[tilespmem:$0x10100] =	vst v63  }
0x163: {  	s6 =	simm.s32 $0xC900  }
0x164: {  	[tilespmem:s6], [sflag:$0x2] =	stream.indirect_vreg.gather [hbm4b:s1+s3], $0x80, v3, vm0, $0xb8;
	[tilespmem:$0x10100] =	vst v63  }
0x165: {  	v3 =	vld [tilespmem:$0xD0];
	_ =	sdelay $0x4  }
0x166: {  	v45 =	vshll.u32 v3, $0x1  }
0x167: {  	v3 =	vand.u32 $0x7, v3;
	v4 =	vand.u32 $0xFFFFFFF0, v45  }
0x168: {  	v3 =	vor.u32 v3, v4  }
0x169: {  	v4 =	vperm.xlane v3, v0;
	_ =	sdelay $0x1  }
0x16a: {  	v3 =	vperm.xlane v3, v2;
	v4 =	vadd.s32 v1, v4;
	_ =	sdelay $0x1  }
0x16b: {  	v3 =	vadd.s32 v1, v3;
	_ =	sdelay $0x1  }
0x16c: {  	s15 =	simm.s32 $0xD100  }
0x16d: {  	[tilespmem:s15], [sflag:$0x2] =	stream.indirect_vreg.gather [hbm4b:s1+s3], $0x80, v4, vm0, $0xb8;
	[tilespmem:$0x10100] =	vst v63  }
0x16e: {  	s15 =	simm.s32 $0xD900  }
0x16f: {  	[tilespmem:s15], [sflag:$0x2] =	stream.indirect_vreg.gather [hbm4b:s1+s3], $0x80, v3, vm0, $0xb8;
	[tilespmem:$0x10100] =	vst v63  }
0x170: {  	v3 =	vld [tilespmem:$0xE0];
	_ =	sdelay $0x4  }
0x171: {  	v46 =	vshll.u32 v3, $0x1  }
0x172: {  	v3 =	vand.u32 $0x7, v3;
	v4 =	vand.u32 $0xFFFFFFF0, v46  }
0x173: {  	v3 =	vor.u32 v3, v4  }
0x174: {  	v4 =	vperm.xlane v3, v0;
	_ =	sdelay $0x1  }
0x175: {  	v3 =	vperm.xlane v3, v2;
	v4 =	vadd.s32 v1, v4;
	_ =	sdelay $0x1  }
0x176: {  	v3 =	vadd.s32 v1, v3;
	_ =	sdelay $0x1  }
0x177: {  	s15 =	simm.s32 $0xE100  }
0x178: {  	[tilespmem:s15], [sflag:$0x2] =	stream.indirect_vreg.gather [hbm4b:s1+s3], $0x80, v4, vm0, $0xb8;
	[tilespmem:$0x10100] =	vst v63  }
0x179: {  	s15 =	simm.s32 $0xE900  }
0x17a: {  	[tilespmem:s15], [sflag:$0x2] =	stream.indirect_vreg.gather [hbm4b:s1+s3], $0x80, v3, vm0, $0xb8;
	[tilespmem:$0x10100] =	vst v63  }
0x17b: {  	v3 =	vld [tilespmem:$0xF0];
	_ =	sdelay $0x4  }
0x17c: {  	v47 =	vshll.u32 v3, $0x1  }
0x17d: {  	v3 =	vand.u32 $0x7, v3;
	v4 =	vand.u32 $0xFFFFFFF0, v47  }
0x17e: {  	v3 =	vor.u32 v3, v4  }
0x17f: {  	v4 =	vperm.xlane v3, v0;
	_ =	sdelay $0x1  }
0x180: {  	v3 =	vperm.xlane v3, v2;
	v4 =	vadd.s32 v1, v4;
	_ =	sdelay $0x1  }
0x181: {  	v3 =	vadd.s32 v1, v3;
	_ =	sdelay $0x1  }
0x182: {  	s15 =	simm.s32 $0xF100  }
0x183: {  	[tilespmem:s15], [sflag:$0x2] =	stream.indirect_vreg.gather [hbm4b:s1+s3], $0x80, v4, vm0, $0xb8;
	[tilespmem:$0x10100] =	vst v63  }
0x184: {  	s15 =	simm.s32 $0xF900  }
0x185: {  	[tilespmem:s15], [sflag:$0x2] =	stream.indirect_vreg.gather [hbm4b:s1+s3], $0x80, v3, vm0, $0xb8;
	[tilespmem:$0x10100] =	vst v63  }
0x186: {  	_ =	swait.ge [sflag:s13], $0x8000  }
0x187: {  	[sflag:s13] =	ssyncset.done $0x0  }
0x188: {  	s15 =	rddreg [dreg:$0xa];
	[sflag:s13] =	ssyncadd.s32 $0xFFFF8000  }
0x189: {  	[hbm4b:s15+s3] =	stream.linear.scatter [tilespmem:s23], [sflag:$0x3], $0x8000, $0x38;
	[tilespmem:$0x10100] =	vst v63  }
0x18a: {  	_ =	swait.ge [sflag:s5], $0x8000  }
0x18b: {  	[sflag:s5] =	ssyncset.done $0x0  }
0x18c: {  	s15 =	rddreg [dreg:$0xb];
	[sflag:s5] =	ssyncadd.s32 $0xFFFF8000  }
0x18d: {  	[tilespmem:s3], [sflag:$0x3] =	stream.linear.gather [hbm4b:s15+s3], $0x80, $0x38;
	[tilespmem:$0x10100] =	vst v63  }
0x18e: {  	_ =	swait.ge [sflag:s5], $0x80  }
0x18f: {  	[sflag:s5] =	ssyncset.done $0x0  }
0x190: {  	[sflag:s5] =	ssyncadd.s32 $0xFFFFFF80  }
0x191: {  	v3 =	vld [tilespmem:$0x0];
	_ =	sdelay $0x4  }
0x192: {  	v48 =	vshll.u32 v3, $0x1  }
0x193: {  	v3 =	vand.u32 $0x7, v3;
	v4 =	vand.u32 $0xFFFFFFF0, v48  }
0x194: {  	v3 =	vor.u32 v3, v4  }
0x195: {  	v4 =	vperm.xlane v3, v0;
	_ =	sdelay $0x1  }
0x196: {  	v3 =	vperm.xlane v3, v2;
	v4 =	vadd.s32 v1, v4;
	_ =	sdelay $0x1  }
0x197: {  	v3 =	vadd.s32 v1, v3;
	_ =	sdelay $0x2  }
0x198: {  	[tilespmem:s23], [sflag:$0x1] =	stream.indirect_vreg.gather [hbm4b:s1+s3], $0x80, v4, vm0, $0xb8;
	[tilespmem:$0x10100] =	vst v63  }
0x199: {  	_ = 	snop  }
0x19a: {  	[tilespmem:s16], [sflag:$0x1] =	stream.indirect_vreg.gather [hbm4b:s1+s3], $0x80, v3, vm0, $0xb8;
	[tilespmem:$0x10100] =	vst v63  }
0x19b: {  	v3 =	vld [tilespmem:$0x10];
	_ =	sdelay $0x4  }
0x19c: {  	v49 =	vshll.u32 v3, $0x1  }
0x19d: {  	v3 =	vand.u32 $0x7, v3;
	v4 =	vand.u32 $0xFFFFFFF0, v49  }
0x19e: {  	v3 =	vor.u32 v3, v4  }
0x19f: {  	v4 =	vperm.xlane v3, v0;
	_ =	sdelay $0x1  }
0x1a0: {  	v3 =	vperm.xlane v3, v2;
	v4 =	vadd.s32 v1, v4;
	_ =	sdelay $0x1  }
0x1a1: {  	v3 =	vadd.s32 v1, v3;
	_ =	sdelay $0x2  }
0x1a2: {  	[tilespmem:s17], [sflag:$0x1] =	stream.indirect_vreg.gather [hbm4b:s1+s3], $0x80, v4, vm0, $0xb8;
	[tilespmem:$0x10100] =	vst v63  }
0x1a3: {  	_ = 	snop  }
0x1a4: {  	[tilespmem:s18], [sflag:$0x1] =	stream.indirect_vreg.gather [hbm4b:s1+s3], $0x80, v3, vm0, $0xb8;
	[tilespmem:$0x10100] =	vst v63  }
0x1a5: {  	v3 =	vld [tilespmem:$0x20];
	_ =	sdelay $0x4  }
0x1a6: {  	v50 =	vshll.u32 v3, $0x1  }
0x1a7: {  	v3 =	vand.u32 $0x7, v3;
	v4 =	vand.u32 $0xFFFFFFF0, v50  }
0x1a8: {  	v3 =	vor.u32 v3, v4  }
0x1a9: {  	v4 =	vperm.xlane v3, v0;
	_ =	sdelay $0x1  }
0x1aa: {  	v3 =	vperm.xlane v3, v2;
	v4 =	vadd.s32 v1, v4;
	_ =	sdelay $0x1  }
0x1ab: {  	v3 =	vadd.s32 v1, v3;
	_ =	sdelay $0x2  }
0x1ac: {  	[tilespmem:s19], [sflag:$0x1] =	stream.indirect_vreg.gather [hbm4b:s1+s3], $0x80, v4, vm0, $0xb8;
	[tilespmem:$0x10100] =	vst v63  }
0x1ad: {  	_ = 	snop  }
0x1ae: {  	[tilespmem:s20], [sflag:$0x1] =	stream.indirect_vreg.gather [hbm4b:s1+s3], $0x80, v3, vm0, $0xb8;
	[tilespmem:$0x10100] =	vst v63  }
0x1af: {  	v3 =	vld [tilespmem:$0x30];
	_ =	sdelay $0x4  }
0x1b0: {  	v51 =	vshll.u32 v3, $0x1  }
0x1b1: {  	v3 =	vand.u32 $0x7, v3;
	v4 =	vand.u32 $0xFFFFFFF0, v51  }
0x1b2: {  	v3 =	vor.u32 v3, v4  }
0x1b3: {  	v4 =	vperm.xlane v3, v0;
	_ =	sdelay $0x1  }
0x1b4: {  	v3 =	vperm.xlane v3, v2;
	v4 =	vadd.s32 v1, v4;
	_ =	sdelay $0x1  }
0x1b5: {  	v3 =	vadd.s32 v1, v3;
	_ =	sdelay $0x2  }
0x1b6: {  	[tilespmem:s21], [sflag:$0x1] =	stream.indirect_vreg.gather [hbm4b:s1+s3], $0x80, v4, vm0, $0xb8;
	[tilespmem:$0x10100] =	vst v63  }
0x1b7: {  	_ = 	snop  }
0x1b8: {  	[tilespmem:s22], [sflag:$0x1] =	stream.indirect_vreg.gather [hbm4b:s1+s3], $0x80, v3, vm0, $0xb8;
	[tilespmem:$0x10100] =	vst v63  }
0x1b9: {  	v3 =	vld [tilespmem:$0x40];
	_ =	sdelay $0x4  }
0x1ba: {  	v52 =	vshll.u32 v3, $0x1  }
0x1bb: {  	v3 =	vand.u32 $0x7, v3;
	v4 =	vand.u32 $0xFFFFFFF0, v52  }
0x1bc: {  	v3 =	vor.u32 v3, v4  }
0x1bd: {  	v4 =	vperm.xlane v3, v0;
	_ =	sdelay $0x1  }
0x1be: {  	v3 =	vperm.xlane v3, v2;
	v4 =	vadd.s32 v1, v4;
	_ =	sdelay $0x1  }
0x1bf: {  	v3 =	vadd.s32 v1, v3;
	_ =	sdelay $0x2  }
0x1c0: {  	[tilespmem:s24], [sflag:$0x1] =	stream.indirect_vreg.gather [hbm4b:s1+s3], $0x80, v4, vm0, $0xb8;
	[tilespmem:$0x10100] =	vst v63  }
0x1c1: {  	_ = 	snop  }
0x1c2: {  	[tilespmem:s25], [sflag:$0x1] =	stream.indirect_vreg.gather [hbm4b:s1+s3], $0x80, v3, vm0, $0xb8;
	[tilespmem:$0x10100] =	vst v63  }
0x1c3: {  	v3 =	vld [tilespmem:$0x50];
	_ =	sdelay $0x4  }
0x1c4: {  	v53 =	vshll.u32 v3, $0x1  }
0x1c5: {  	v3 =	vand.u32 $0x7, v3;
	v4 =	vand.u32 $0xFFFFFFF0, v53  }
0x1c6: {  	v3 =	vor.u32 v3, v4  }
0x1c7: {  	v4 =	vperm.xlane v3, v0;
	_ =	sdelay $0x1  }
0x1c8: {  	v3 =	vperm.xlane v3, v2;
	v4 =	vadd.s32 v1, v4;
	_ =	sdelay $0x1  }
0x1c9: {  	v3 =	vadd.s32 v1, v3;
	_ =	sdelay $0x2  }
0x1ca: {  	[tilespmem:s26], [sflag:$0x1] =	stream.indirect_vreg.gather [hbm4b:s1+s3], $0x80, v4, vm0, $0xb8;
	[tilespmem:$0x10100] =	vst v63  }
0x1cb: {  	_ = 	snop  }
0x1cc: {  	[tilespmem:s28], [sflag:$0x1] =	stream.indirect_vreg.gather [hbm4b:s1+s3], $0x80, v3, vm0, $0xb8;
	[tilespmem:$0x10100] =	vst v63  }
0x1cd: {  	v3 =	vld [tilespmem:$0x60];
	_ =	sdelay $0x4  }
0x1ce: {  	v54 =	vshll.u32 v3, $0x1  }
0x1cf: {  	v3 =	vand.u32 $0x7, v3;
	v4 =	vand.u32 $0xFFFFFFF0, v54  }
0x1d0: {  	v3 =	vor.u32 v3, v4  }
0x1d1: {  	v4 =	vperm.xlane v3, v0;
	_ =	sdelay $0x1  }
0x1d2: {  	v3 =	vperm.xlane v3, v2;
	v4 =	vadd.s32 v1, v4;
	_ =	sdelay $0x1  }
0x1d3: {  	v3 =	vadd.s32 v1, v3;
	_ =	sdelay $0x2  }
0x1d4: {  	[tilespmem:s29], [sflag:$0x1] =	stream.indirect_vreg.gather [hbm4b:s1+s3], $0x80, v4, vm0, $0xb8;
	[tilespmem:$0x10100] =	vst v63  }
0x1d5: {  	_ = 	snop  }
0x1d6: {  	[tilespmem:s30], [sflag:$0x1] =	stream.indirect_vreg.gather [hbm4b:s1+s3], $0x80, v3, vm0, $0xb8;
	[tilespmem:$0x10100] =	vst v63  }
0x1d7: {  	v3 =	vld [tilespmem:$0x70];
	_ =	sdelay $0x4  }
0x1d8: {  	v55 =	vshll.u32 v3, $0x1  }
0x1d9: {  	v3 =	vand.u32 $0x7, v3;
	v4 =	vand.u32 $0xFFFFFFF0, v55  }
0x1da: {  	v3 =	vor.u32 v3, v4  }
0x1db: {  	v4 =	vperm.xlane v3, v0;
	_ =	sdelay $0x1  }
0x1dc: {  	v3 =	vperm.xlane v3, v2;
	v4 =	vadd.s32 v1, v4;
	_ =	sdelay $0x1  }
0x1dd: {  	v3 =	vadd.s32 v1, v3;
	_ =	sdelay $0x2  }
0x1de: {  	[tilespmem:s31], [sflag:$0x1] =	stream.indirect_vreg.gather [hbm4b:s1+s3], $0x80, v4, vm0, $0xb8;
	[tilespmem:$0x10100] =	vst v63  }
0x1df: {  	_ = 	snop  }
0x1e0: {  	[tilespmem:s2], [sflag:$0x1] =	stream.indirect_vreg.gather [hbm4b:s1+s3], $0x80, v3, vm0, $0xb8;
	[tilespmem:$0x10100] =	vst v63  }
0x1e1: {  	_ =	swait.ge [sflag:s14], $0x8000  }
0x1e2: {  	[sflag:s14] =	ssyncset.done $0x0  }
0x1e3: {  	s2 =	rddreg [dreg:$0xc];
	[sflag:s14] =	ssyncadd.s32 $0xFFFF8000  }
0x1e4: {  	[hbm4b:s2+s3] =	stream.linear.scatter [tilespmem:s0], [sflag:$0x3], $0x8000, $0x38;
	[tilespmem:$0x10100] =	vst v63  }
0x1e5: {  	_ =	swait.ge [sflag:s5], $0x8000  }
0x1e6: {  	[sflag:s5] =	ssyncset.done $0x0  }
0x1e7: {  	s2 =	simm.s32 $0x80;
	s15 =	rddreg [dreg:$0xd];
	[sflag:s5] =	ssyncadd.s32 $0xFFFF8000  }
0x1e8: {  	[tilespmem:s2], [sflag:$0x3] =	stream.linear.gather [hbm4b:s15+s3], $0x80, $0x38;
	[tilespmem:$0x10100] =	vst v63  }
0x1e9: {  	_ =	swait.ge [sflag:s5], $0x80  }
0x1ea: {  	[sflag:s5] =	ssyncset.done $0x0  }
0x1eb: {  	[sflag:s5] =	ssyncadd.s32 $0xFFFFFF80  }
0x1ec: {  	v3 =	vld [tilespmem:$0x80];
	_ =	sdelay $0x4  }
0x1ed: {  	v56 =	vshll.u32 v3, $0x1  }
0x1ee: {  	v3 =	vand.u32 $0x7, v3;
	v4 =	vand.u32 $0xFFFFFFF0, v56  }
0x1ef: {  	v3 =	vor.u32 v3, v4  }
0x1f0: {  	v4 =	vperm.xlane v3, v0;
	_ =	sdelay $0x1  }
0x1f1: {  	v3 =	vperm.xlane v3, v2;
	v4 =	vadd.s32 v1, v4;
	_ =	sdelay $0x1  }
0x1f2: {  	v3 =	vadd.s32 v1, v3;
	_ =	sdelay $0x2  }
0x1f3: {  	[tilespmem:s0], [sflag:$0x2] =	stream.indirect_vreg.gather [hbm4b:s1+s3], $0x80, v4, vm0, $0xb8;
	[tilespmem:$0x10100] =	vst v63  }
0x1f4: {  	_ = 	snop  }
0x1f5: {  	[tilespmem:s7], [sflag:$0x2] =	stream.indirect_vreg.gather [hbm4b:s1+s3], $0x80, v3, vm0, $0xb8;
	[tilespmem:$0x10100] =	vst v63  }
0x1f6: {  	v3 =	vld [tilespmem:$0x90];
	_ =	sdelay $0x4  }
0x1f7: {  	v57 =	vshll.u32 v3, $0x1  }
0x1f8: {  	v3 =	vand.u32 $0x7, v3;
	v4 =	vand.u32 $0xFFFFFFF0, v57  }
0x1f9: {  	v3 =	vor.u32 v3, v4  }
0x1fa: {  	v4 =	vperm.xlane v3, v0;
	_ =	sdelay $0x1  }
0x1fb: {  	v3 =	vperm.xlane v3, v2;
	v4 =	vadd.s32 v1, v4;
	_ =	sdelay $0x1  }
0x1fc: {  	v3 =	vadd.s32 v1, v3;
	_ =	sdelay $0x2  }
0x1fd: {  	[tilespmem:s8], [sflag:$0x2] =	stream.indirect_vreg.gather [hbm4b:s1+s3], $0x80, v4, vm0, $0xb8;
	[tilespmem:$0x10100] =	vst v63  }
0x1fe: {  	_ = 	snop  }
0x1ff: {  	[tilespmem:s9], [sflag:$0x2] =	stream.indirect_vreg.gather [hbm4b:s1+s3], $0x80, v3, vm0, $0xb8;
	[tilespmem:$0x10100] =	vst v63  }
0x200: {  	v3 =	vld [tilespmem:$0xA0];
	_ =	sdelay $0x4  }
0x201: {  	v58 =	vshll.u32 v3, $0x1  }
0x202: {  	v3 =	vand.u32 $0x7, v3;
	v4 =	vand.u32 $0xFFFFFFF0, v58  }
0x203: {  	v3 =	vor.u32 v3, v4  }
0x204: {  	v4 =	vperm.xlane v3, v0;
	_ =	sdelay $0x1  }
0x205: {  	v3 =	vperm.xlane v3, v2;
	v4 =	vadd.s32 v1, v4;
	_ =	sdelay $0x1  }
0x206: {  	v3 =	vadd.s32 v1, v3;
	_ =	sdelay $0x2  }
0x207: {  	[tilespmem:s10], [sflag:$0x2] =	stream.indirect_vreg.gather [hbm4b:s1+s3], $0x80, v4, vm0, $0xb8;
	[tilespmem:$0x10100] =	vst v63  }
0x208: {  	_ = 	snop  }
0x209: {  	[tilespmem:s11], [sflag:$0x2] =	stream.indirect_vreg.gather [hbm4b:s1+s3], $0x80, v3, vm0, $0xb8;
	[tilespmem:$0x10100] =	vst v63  }
0x20a: {  	v3 =	vld [tilespmem:$0xB0];
	_ =	sdelay $0x4  }
0x20b: {  	v59 =	vshll.u32 v3, $0x1  }
0x20c: {  	v3 =	vand.u32 $0x7, v3;
	v4 =	vand.u32 $0xFFFFFFF0, v59  }
0x20d: {  	v3 =	vor.u32 v3, v4  }
0x20e: {  	v4 =	vperm.xlane v3, v0;
	_ =	sdelay $0x1  }
0x20f: {  	v3 =	vperm.xlane v3, v2;
	v4 =	vadd.s32 v1, v4;
	_ =	sdelay $0x1  }
0x210: {  	v3 =	vadd.s32 v1, v3;
	_ =	sdelay $0x2  }
0x211: {  	[tilespmem:s12], [sflag:$0x2] =	stream.indirect_vreg.gather [hbm4b:s1+s3], $0x80, v4, vm0, $0xb8;
	[tilespmem:$0x10100] =	vst v63  }
0x212: {  	s15 =	simm.s32 $0xB900  }
0x213: {  	[tilespmem:s15], [sflag:$0x2] =	stream.indirect_vreg.gather [hbm4b:s1+s3], $0x80, v3, vm0, $0xb8;
	[tilespmem:$0x10100] =	vst v63  }
0x214: {  	v3 =	vld [tilespmem:$0xC0];
	_ =	sdelay $0x4  }
0x215: {  	v60 =	vshll.u32 v3, $0x1  }
0x216: {  	v3 =	vand.u32 $0x7, v3;
	v4 =	vand.u32 $0xFFFFFFF0, v60  }
0x217: {  	v3 =	vor.u32 v3, v4  }
0x218: {  	v4 =	vperm.xlane v3, v0;
	_ =	sdelay $0x1  }
0x219: {  	v3 =	vperm.xlane v3, v2;
	v4 =	vadd.s32 v1, v4;
	_ =	sdelay $0x1  }
0x21a: {  	v3 =	vadd.s32 v1, v3;
	_ =	sdelay $0x1  }
0x21b: {  	s15 =	simm.s32 $0xC100  }
0x21c: {  	[tilespmem:s15], [sflag:$0x2] =	stream.indirect_vreg.gather [hbm4b:s1+s3], $0x80, v4, vm0, $0xb8;
	[tilespmem:$0x10100] =	vst v63  }
0x21d: {  	_ = 	snop  }
0x21e: {  	[tilespmem:s6], [sflag:$0x2] =	stream.indirect_vreg.gather [hbm4b:s1+s3], $0x80, v3, vm0, $0xb8;
	[tilespmem:$0x10100] =	vst v63  }
0x21f: {  	v3 =	vld [tilespmem:$0xD0];
	_ =	sdelay $0x4  }
0x220: {  	v61 =	vshll.u32 v3, $0x1  }
0x221: {  	v3 =	vand.u32 $0x7, v3;
	v4 =	vand.u32 $0xFFFFFFF0, v61  }
0x222: {  	v3 =	vor.u32 v3, v4  }
0x223: {  	v4 =	vperm.xlane v3, v0;
	_ =	sdelay $0x1  }
0x224: {  	v3 =	vperm.xlane v3, v2;
	v4 =	vadd.s32 v1, v4;
	_ =	sdelay $0x1  }
0x225: {  	v3 =	vadd.s32 v1, v3;
	_ =	sdelay $0x1  }
0x226: {  	s6 =	simm.s32 $0xD100  }
0x227: {  	[tilespmem:s6], [sflag:$0x2] =	stream.indirect_vreg.gather [hbm4b:s1+s3], $0x80, v4, vm0, $0xb8;
	[tilespmem:$0x10100] =	vst v63  }
0x228: {  	s15 =	simm.s32 $0xD900  }
0x229: {  	[tilespmem:s15], [sflag:$0x2] =	stream.indirect_vreg.gather [hbm4b:s1+s3], $0x80, v3, vm0, $0xb8;
	[tilespmem:$0x10100] =	vst v63  }
0x22a: {  	v3 =	vld [tilespmem:$0xE0];
	_ =	sdelay $0x4  }
0x22b: {  	v62 =	vshll.u32 v3, $0x1  }
0x22c: {  	v3 =	vand.u32 $0x7, v3;
	v4 =	vand.u32 $0xFFFFFFF0, v62  }
0x22d: {  	v3 =	vor.u32 v3, v4  }
0x22e: {  	v4 =	vperm.xlane v3, v0;
	_ =	sdelay $0x1  }
0x22f: {  	v3 =	vperm.xlane v3, v2;
	v4 =	vadd.s32 v1, v4;
	_ =	sdelay $0x1  }
0x230: {  	v3 =	vadd.s32 v1, v3;
	_ =	sdelay $0x1  }
0x231: {  	s6 =	simm.s32 $0xE100  }
0x232: {  	[tilespmem:s6], [sflag:$0x2] =	stream.indirect_vreg.gather [hbm4b:s1+s3], $0x80, v4, vm0, $0xb8;
	[tilespmem:$0x10100] =	vst v63  }
0x233: {  	s15 =	simm.s32 $0xE900  }
0x234: {  	[tilespmem:s15], [sflag:$0x2] =	stream.indirect_vreg.gather [hbm4b:s1+s3], $0x80, v3, vm0, $0xb8;
	[tilespmem:$0x10100] =	vst v63  }
0x235: {  	v3 =	vld [tilespmem:$0xF0];
	_ =	sdelay $0x4  }
0x236: {  	v63 =	vshll.u32 v3, $0x1  }
0x237: {  	v3 =	vand.u32 $0x7, v3;
	v4 =	vand.u32 $0xFFFFFFF0, v63  }
0x238: {  	v3 =	vor.u32 v3, v4  }
0x239: {  	v4 =	vperm.xlane v3, v0;
	_ =	sdelay $0x1  }
0x23a: {  	v3 =	vperm.xlane v3, v2;
	v4 =	vadd.s32 v1, v4;
	_ =	sdelay $0x1  }
0x23b: {  	v3 =	vadd.s32 v1, v3;
	_ =	sdelay $0x1  }
0x23c: {  	s6 =	simm.s32 $0xF100  }
0x23d: {  	[tilespmem:s6], [sflag:$0x2] =	stream.indirect_vreg.gather [hbm4b:s1+s3], $0x80, v4, vm0, $0xb8;
	[tilespmem:$0x10100] =	vst v63  }
0x23e: {  	s15 =	simm.s32 $0xF900  }
0x23f: {  	[tilespmem:s15], [sflag:$0x2] =	stream.indirect_vreg.gather [hbm4b:s1+s3], $0x80, v3, vm0, $0xb8;
	[tilespmem:$0x10100] =	vst v63  }
0x240: {  	_ =	swait.ge [sflag:s13], $0x8000  }
0x241: {  	[sflag:s13] =	ssyncset.done $0x0  }
0x242: {  	s2 =	rddreg [dreg:$0xe];
	[sflag:s13] =	ssyncadd.s32 $0xFFFF8000  }
0x243: {  	[hbm4b:s2+s3] =	stream.linear.scatter [tilespmem:s23], [sflag:$0x3], $0x8000, $0x38;
	[tilespmem:$0x10100] =	vst v63  }
0x244: {  	_ =	swait.ge [sflag:s5], $0x8000  }
0x245: {  	[sflag:s5] =	ssyncset.done $0x0  }
0x246: {  	[sflag:s5] =	ssyncadd.s32 $0xFFFF8000  }
0x247: {  	_ =	swait.ge [sflag:s14], $0x8000  }
0x248: {  	p0 =	sne.s32 s4, $0x1;
	[sflag:s14] =	ssyncset.done $0x0  }
.Ltmp0:
0x249: {  	s6 =	rddreg [dreg:$0xf];
	[sflag:s14] =	ssyncadd.s32 $0xFFFF8000;
	(pc) =	sbr.rel @p0 .LBB2_1-.Ltmp0, $4  }
0x24a: {  	[hbm4b:s6+s3] =	stream.linear.scatter [tilespmem:s0], [sflag:$0x3], $0x8000, $0x38;
	[tilespmem:$0x10100] =	vst v63  }
0x24b: {  	_ =	swait.ge [sflag:s5], $0x8000  }
0x24c: {  	[sflag:s5] =	ssyncset.done $0x0  }
0x24d: {  	s4 =	sadd.s32 $0xFFFFFFFF, s4;
	[sflag:s5] =	ssyncadd.s32 $0xFFFF8000  }
0x24e: {  	_ =	sfence.sel $0x180000  }
0x24f: {  	[bflag:$0x0] =	sbarrier.arrive $0xFFFF  }
0x250: {  	_ =	strace $0x90000047  }
0x251: {  	s0 =	stileid.u32;
	[bflag:$0x2] =	sbarrier.arrive $0xFFFF  }
0x252: {  	p0 =	sne.s32 s0, $0x0;
	s0 =	rddreg [dreg:$0x3]  }
0x253: {  	s0 =	sadd.s32 @!p0 $0x100000, s0  }
0x254: {  	[sflag:s0] =	ssyncadd.tile.s32 @!p0 $0x1;
	_ =	shalt  }
.Lfunc_end2:
_tile_overlayer_lowered:
.L_overlay_start_2:
0x255: {  	(tag) =	ssettag $0x2  }
0x256: {  	s0 =	rddreg [dreg:$0x0];
	s2 =	stileid.u32  }
0x257: {  	s1 =	rddreg [dreg:$0x1];
	p0 =	sne.s32 s2, $0x0  }
0x258: {  	s3 =	rddreg [dreg:$0x2];
	[bflag:$0x3] =	sbarrier.arrive $0xFFFF;
	s2 =	simm.s32 @!p0 $0x1C03  }
0x259: {  	[timem:s3], [sflag:s2] =	dma.local @!p0 [hbm:s0], s1  }
0x25a: {  	s0 =	simm.s32 @!p0 $0x3  }
0x25b: {  	_ =	swait.ge @!p0 [sflag:s0], s1  }
0x25c: {  	s1 =	ssub.s32 @!p0 $0x0, s1;
	[sflag:s0] =	ssyncset.done @!p0 $0x0  }
0x25d: {  	[sflag:s0] =	ssyncadd.s32 @!p0 s1  }
0x25e: {  	[bflag:$0x3] =	sbarrier.arrive $0xFFFF  }
0x25f: {  	_ =	shalt  }

</sc_bundles>
